<compile_context>
chip_gen: v7x
topology: tpu7x:2x2x1
jax: 0.10.2.dev20260603
libtpu: 0.0.44.dev20260713+nightly
codegen_flags: <defaults>
</compile_context>

<pallas_src>
import functools

import jax
import jax.numpy as jnp
from jax import lax
from jax.experimental import pallas as pl
from jax.experimental.pallas import tpu as pltpu
from jax.experimental.pallas import tpu_sc as plsc

_B, _D, _M, _N = 16384, 256, 8192, 100000
_BB = 2048
_MC = 1024
_COMMIT = 0.25

_NC = 2
_NS = 16
_NW = _NC * _NS
_BPW = _B // _NW
_GCH = 128
_OSZ = 3128


def _dist_body(x_ref, ct2_ref, iota_ref, enc_ref, stats_ref,
               xsq_s, minv_s, arg_s):
    j = pl.program_id(1)
    nj = pl.num_programs(1)

    @pl.when(j == 0)
    def _():
        x0 = x_ref[...]
        xsq_s[...] = jnp.sum(x0 * x0, axis=1, keepdims=True)

    x = x_ref[...]
    cb2 = ct2_ref[...]
    p2 = lax.dot_general(x, cb2, (((1,), (1,)), ((), ())),
                         preferred_element_type=jnp.float32)
    e_sq = 0.25 * jnp.sum(cb2 * cb2, axis=1)[None, :]
    d = (xsq_s[...] + p2) + e_sq

    @pl.when(j == 0)
    def _():
        minv_s[...] = d
        arg_s[...] = jnp.zeros((_BB, _MC), jnp.float32)

    @pl.when(j > 0)
    def _():
        acc = minv_s[...]
        arg_s[...] = jnp.where(d < acc, j.astype(jnp.float32), arg_s[...])
        minv_s[...] = jnp.minimum(d, acc)

    @pl.when(j == nj - 1)
    def _():
        acc = minv_s[...]
        m = jnp.min(acc, axis=1, keepdims=True)
        gidx = arg_s[...] * float(_MC) + iota_ref[...]
        cand = jnp.where(acc == m, gidx, 3.0e8)
        idx = jnp.min(cand, axis=1, keepdims=True)
        enc_ref[...] = idx.astype(jnp.int32)
        mm = jnp.maximum(m, 0.0)
        s0 = jnp.sum(mm)
        s1 = jnp.sum(jnp.sqrt(mm))
        lane = lax.broadcasted_iota(jnp.int32, (1, 1, 128), 2)
        stats_ref[...] = jnp.where(
            lane == 0, s0, jnp.where(lane == 1, s1, 0.0))


def _argmin_call(X_B, ct2, iota_row):
    grid = (_B // _BB, _M // _MC)
    return pl.pallas_call(
        _dist_body,
        grid=grid,
        in_specs=[
            pl.BlockSpec((_BB, _D), lambda i, j: (i, 0)),
            pl.BlockSpec((_MC, _D), lambda i, j: (j, 0)),
            pl.BlockSpec((1, _MC), lambda i, j: (0, 0)),
        ],
        out_specs=[
            pl.BlockSpec((_BB, 1), lambda i, j: (i, 0)),
            pl.BlockSpec((1, 1, 128), lambda i, j: (i, 0, 0)),
        ],
        out_shape=[
            jax.ShapeDtypeStruct((_B, 1), jnp.int32),
            jax.ShapeDtypeStruct((_B // _BB, 1, 128), jnp.float32),
        ],
        scratch_shapes=[
            pltpu.VMEM((_BB, 1), jnp.float32),
            pltpu.VMEM((_BB, _MC), jnp.float32),
            pltpu.VMEM((_BB, _MC), jnp.float32),
        ],
    )(X_B, ct2, iota_row)


def _sc_body(cb_hbm, enc_hbm, bidx_hbm, cind_hbm, q_hbm, newc_hbm,
             idx_v, rows0_v, rows1_v, bidx_v, encb_v, cloc_v, pos_v,
             bsem, gsem, osem):
    wid = lax.axis_index("s") * _NC + lax.axis_index("c")
    nch = _BPW // _GCH
    rows = [rows0_v, rows1_v]

    obase = jnp.minimum(wid * _OSZ, _N - _OSZ)
    a_bidx = pltpu.async_copy(bidx_hbm, bidx_v, bsem)
    a_enc = pltpu.async_copy(enc_hbm, encb_v, bsem)
    a_cloc = pltpu.async_copy(cind_hbm.at[pl.ds(obase, _OSZ)], cloc_v, bsem)

    pltpu.sync_copy(enc_hbm.at[pl.ds(wid * _BPW, _BPW)], idx_v)
    gathers = [pltpu.async_copy(cb_hbm.at[idx_v.at[pl.ds(k * _GCH, _GCH)]],
                                rows[k % 2], gsem)
               for k in range(2)]
    outs = []

    a_bidx.wait()
    a_enc.wait()
    a_cloc.wait()

    lanes = lax.iota(jnp.int32, 16)
    zeros16 = jnp.zeros((16,), jnp.int32)
    lanebit = jnp.left_shift(jnp.int32(1), lanes)

    def step(v, carry):
        for u in range(2):
            off = v * 32 + u * 16
            vb = bidx_v[pl.ds(off, 16)]
            ve = encb_v[pl.ds(off, 16)]
            rel = vb - obase
            owned = (rel >= 0) & (rel < _OSZ)
            relc = jnp.where(owned, rel, 0)
            plsc.store_scatter(pos_v, [relc], zeros16, mask=owned)
            plsc.addupdate_scatter(pos_v, [relc], lanebit, mask=owned)
            sums = plsc.load_gather(pos_v, [relc], mask=owned)
            hb = jnp.right_shift(
                plsc.bitcast(sums.astype(jnp.float32), jnp.int32), 23) - 127
            win = owned & (hb == lanes)
            plsc.store_scatter(cloc_v, [relc], ve, mask=win)
        return carry

    lax.fori_loop(0, _B // 32, step, 0)
    pltpu.sync_copy(cloc_v, newc_hbm.at[pl.ds(obase, _OSZ)])

    for k in range(nch):
        gathers[k].wait()
        outs.append(pltpu.async_copy(
            rows[k % 2], q_hbm.at[pl.ds(wid * _BPW + k * _GCH, _GCH)], osem))
        if k + 2 < nch:
            outs[k].wait()
            gathers.append(pltpu.async_copy(
                cb_hbm.at[idx_v.at[pl.ds((k + 2) * _GCH, _GCH)]],
                rows[k % 2], gsem))
    outs[nch - 2].wait()
    outs[nch - 1].wait()


_sc_call = functools.partial(
    pl.kernel,
    out_type=[
        jax.ShapeDtypeStruct((_B, _D), jnp.float32),
        jax.ShapeDtypeStruct((_N,), jnp.int32),
    ],
    mesh=plsc.VectorSubcoreMesh(core_axis_name="c", subcore_axis_name="s"),
    compiler_params=pltpu.CompilerParams(needs_layout_passes=False),
    scratch_types=[
        pltpu.VMEM((_BPW,), jnp.int32),
        pltpu.VMEM((_GCH, _D), jnp.float32),
        pltpu.VMEM((_GCH, _D), jnp.float32),
        pltpu.VMEM((_B,), jnp.int32),
        pltpu.VMEM((_B,), jnp.int32),
        pltpu.VMEM((_OSZ,), jnp.int32),
        pltpu.VMEM((_OSZ,), jnp.int32),
        pltpu.SemaphoreType.DMA,
        pltpu.SemaphoreType.DMA,
        pltpu.SemaphoreType.DMA,
    ],
)(_sc_body)


def kernel(X_B, batch_indices, codebook, c_indices):
    ct2 = -2.0 * codebook
    iota_row = jnp.arange(_MC, dtype=jnp.float32).reshape(1, _MC)
    enc2d, stats = _argmin_call(X_B, ct2, iota_row)
    enc = enc2d.reshape(_B)
    quantized, new_c = _sc_call(
        codebook, enc, batch_indices.astype(jnp.int32), c_indices)
    dsum = jnp.sum(stats[:, 0, 0])
    ssum = jnp.sum(stats[:, 0, 1])
    loss = _COMMIT * dsum / (_B * _D)
    vq_error = ssum / _B
    return quantized, loss, enc, new_c, vq_error

# --- scband reference (transcript-rebuilt; emitter-appended) ---
"""Pipeline reference for scband-low-rank-gnnblock-103079215400 (READ-ONLY COPY).

The authoritative reference and input builder live on the scoring server;
editing this copy changes nothing except your own understanding.
"""

import jax, jax.numpy as jnp
import numpy as np

NUM_M = 8192
NUM_D = 256
NUM_N = 100000
BATCH = 16384
COMMITMENT_COST = 0.25


def setup_inputs(seed: int = 0) -> dict:
    key = jax.random.key(seed)
    k1, k2, k3, k4 = jax.random.split(key, 4)
    X_B = jax.random.normal(k1, (BATCH, NUM_D), dtype=jnp.float32)
    batch_indices = jax.random.randint(k2, (BATCH,), 0, NUM_N, dtype=jnp.int64)
    codebook = jax.random.normal(k3, (NUM_M, NUM_D), dtype=jnp.float32)
    c_indices = jax.random.randint(k4, (NUM_N,), 0, NUM_M, dtype=jnp.int32)
    return {"X_B": X_B, "batch_indices": batch_indices, "codebook": codebook, "c_indices": c_indices}


def reference(X_B, batch_indices, codebook, c_indices):
    # VectorQuantizerEMA forward / feature_update: nearest-code assignment
    # distances ||x - e||^2 = ||x||^2 - 2 x e^T + ||e||^2
    x_sq = jnp.sum(X_B ** 2, axis=1, keepdims=True)            # [B, 1]
    e_sq = jnp.sum(codebook ** 2, axis=1)[None, :]             # [1, M]
    distances = x_sq - 2.0 * (X_B @ codebook.T) + e_sq         # [B, M]
    encoding_indices = jnp.argmin(distances, axis=1)           # [B]
    quantized = jnp.take(codebook, encoding_indices, axis=0)   # [B, D] gather
    # commitment loss (codebook trained by EMA, not grads)
    e_latent_loss = jnp.mean((jax.lax.stop_gradient(quantized) - X_B) ** 2)
    loss = COMMITMENT_COST * e_latent_loss
    # straight-through estimator
    quantized_st = X_B + jax.lax.stop_gradient(quantized - X_B)
    # LowRankGNNBlock.init: c_indices[batch_indices] = encoding_indices (scatter overwrite)
    new_c_indices = c_indices.at[batch_indices].set(encoding_indices.astype(jnp.int32))
    # vq reconstruction error (as in hook's vq_backward_error)
    vq_error = jnp.mean(jnp.linalg.norm(X_B - quantized, axis=1))
    return quantized_st, loss, encoding_indices, new_c_indices, vq_error

if __name__ == "__main__":
    import jax
    _d = setup_inputs()
    print(jax.jit(kernel)(*tuple(_d.values())))

</pallas_src>

<mosaic_0001>
#map = affine_map<(d0, d1) -> (0, 0)>
#map1 = affine_map<(d0, d1) -> (0)>
module attributes {stable_mosaic.version = 14 : i64} {
  func.func @_sc_body(%arg0: i32, %arg1: i32, %arg2: memref<8192x256xf32, #tpu.memory_space<hbm>>, %arg3: memref<16384xi32, #tpu.memory_space<hbm>>, %arg4: memref<16384xi32, #tpu.memory_space<hbm>>, %arg5: memref<100000xi32, #tpu.memory_space<hbm>>, %arg6: memref<16384x256xf32, #tpu.memory_space<hbm>>, %arg7: memref<100000xi32, #tpu.memory_space<hbm>>, %arg8: memref<512xi32, #tpu.memory_space<vmem>>, %arg9: memref<128x256xf32, #tpu.memory_space<vmem>>, %arg10: memref<128x256xf32, #tpu.memory_space<vmem>>, %arg11: memref<16384xi32, #tpu.memory_space<vmem>>, %arg12: memref<16384xi32, #tpu.memory_space<vmem>>, %arg13: memref<3128xi32, #tpu.memory_space<vmem>>, %arg14: memref<3128xi32, #tpu.memory_space<vmem>>, %arg15: memref<!tpu.dma_semaphore, #tpu.memory_space<semaphore_mem>>, %arg16: memref<!tpu.dma_semaphore, #tpu.memory_space<semaphore_mem>>, %arg17: memref<!tpu.dma_semaphore, #tpu.memory_space<semaphore_mem>>) attributes {dimension_semantics = [#tpu.dimension_semantics<core_parallel>, #tpu.dimension_semantics<subcore_parallel>], iteration_bounds = array<i64: 2, 16>, scalar_prefetch = 0 : i64, scratch_operands = 10 : i64, tpu.core_type = #tpu.core_type<sc_vector_subcore>, window_params = [{transform_indices = #map}, {transform_indices = #map1}, {transform_indices = #map1}, {transform_indices = #map1}, {transform_indices = #map}, {transform_indices = #map1}]} {
    %mul3A = arith.constant 2 : i32
    %mul3A_0 = arith.muli %arg1, %mul3A : i32
    %add3A = arith.addi %mul3A_0, %arg0 : i32
    %mul3A_1 = arith.constant 3128 : i32
    %mul3A_2 = arith.muli %add3A, %mul3A_1 : i32
    %min3A = arith.constant 96872 : i32
    %min3A_3 = arith.minsi %mul3A_2, %min3A : i32
    tpu.enqueue_dma source(%arg4 : memref<16384xi32, #tpu.memory_space<hbm>>) target(%arg11 : memref<16384xi32, #tpu.memory_space<vmem>>) target_semaphore(%arg15 : memref<!tpu.dma_semaphore, #tpu.memory_space<semaphore_mem>>)
    tpu.enqueue_dma source(%arg3 : memref<16384xi32, #tpu.memory_space<hbm>>) target(%arg12 : memref<16384xi32, #tpu.memory_space<vmem>>) target_semaphore(%arg15 : memref<!tpu.dma_semaphore, #tpu.memory_space<semaphore_mem>>)
    %dma_start3A = tpu.memref_slice %arg5[%min3A_3] : memref<100000xi32, #tpu.memory_space<hbm>> -> memref<3128xi32, #tpu.memory_space<hbm>>
    %dma_start3A_4 = tpu.memref_slice %arg5[%min3A_3] : memref<100000xi32, #tpu.memory_space<hbm>> -> memref<3128xi32, #tpu.memory_space<hbm>>
    tpu.enqueue_dma source(%dma_start3A_4 : memref<3128xi32, #tpu.memory_space<hbm>>) target(%arg13 : memref<3128xi32, #tpu.memory_space<vmem>>) target_semaphore(%arg15 : memref<!tpu.dma_semaphore, #tpu.memory_space<semaphore_mem>>)
    %mul3A_5 = arith.constant 512 : i32
    %mul3A_6 = arith.muli %add3A, %mul3A_5 : i32
    "tpu.region"() ({
      %run_scoped3A = tpu.sem_alloc : memref<!tpu.dma_semaphore, #tpu.memory_space<semaphore_mem>>
      %dma_start3A_104 = tpu.memref_slice %arg3[%mul3A_6] : memref<16384xi32, #tpu.memory_space<hbm>> -> memref<512xi32, #tpu.memory_space<hbm>>
      %dma_start3A_105 = tpu.memref_slice %arg3[%mul3A_6] : memref<16384xi32, #tpu.memory_space<hbm>> -> memref<512xi32, #tpu.memory_space<hbm>>
      tpu.enqueue_dma source(%dma_start3A_105 : memref<512xi32, #tpu.memory_space<hbm>>) target(%arg8 : memref<512xi32, #tpu.memory_space<vmem>>) target_semaphore(%run_scoped3A : memref<!tpu.dma_semaphore, #tpu.memory_space<semaphore_mem>>)
      %dma_wait3A_106 = tpu.memref_slice %arg3[%mul3A_6] : memref<16384xi32, #tpu.memory_space<hbm>> -> memref<512xi32, #tpu.memory_space<hbm>>
      %dma_wait3A_107 = tpu.memref_slice %arg3[%mul3A_6] : memref<16384xi32, #tpu.memory_space<hbm>> -> memref<512xi32, #tpu.memory_space<hbm>>
      tpu.wait_dma2 semaphore(%run_scoped3A : memref<!tpu.dma_semaphore, #tpu.memory_space<semaphore_mem>>) src(%dma_wait3A_107 : memref<512xi32, #tpu.memory_space<hbm>>) dst(%arg8 : memref<512xi32, #tpu.memory_space<vmem>>)
      tpu.yield
    }) : () -> ()
    %dma_start3A_7 = arith.constant 0 : i32
    %dma_start3A_8 = tpu.memref_slice %arg8[%dma_start3A_7] : memref<512xi32, #tpu.memory_space<vmem>> -> memref<128xi32, #tpu.memory_space<vmem>>
    %dma_start3A_9 = arith.constant 0 : i32
    %dma_start3A_10 = arith.constant 0 : i32
    %dma_start3A_11 = tpu.memref_slice %arg2[%dma_start3A_9, %dma_start3A_10] : memref<8192x256xf32, #tpu.memory_space<hbm>> -> memref<8192x256xf32, #tpu.memory_space<hbm>>
    tpu.enqueue_indirect_dma source(%dma_start3A_11 : memref<8192x256xf32, #tpu.memory_space<hbm>>) target(%arg9 : memref<128x256xf32, #tpu.memory_space<vmem>>) offsets(%dma_start3A_8 : memref<128xi32, #tpu.memory_space<vmem>>) semaphore(%arg16 : memref<!tpu.dma_semaphore, #tpu.memory_space<semaphore_mem>>)
    %dma_start3A_12 = arith.constant 128 : i32
    %dma_start3A_13 = tpu.memref_slice %arg8[%dma_start3A_12] : memref<512xi32, #tpu.memory_space<vmem>> -> memref<128xi32, #tpu.memory_space<vmem>>
    %dma_start3A_14 = arith.constant 0 : i32
    %dma_start3A_15 = arith.constant 0 : i32
    %dma_start3A_16 = tpu.memref_slice %arg2[%dma_start3A_14, %dma_start3A_15] : memref<8192x256xf32, #tpu.memory_space<hbm>> -> memref<8192x256xf32, #tpu.memory_space<hbm>>
    tpu.enqueue_indirect_dma source(%dma_start3A_16 : memref<8192x256xf32, #tpu.memory_space<hbm>>) target(%arg10 : memref<128x256xf32, #tpu.memory_space<vmem>>) offsets(%dma_start3A_13 : memref<128xi32, #tpu.memory_space<vmem>>) semaphore(%arg16 : memref<!tpu.dma_semaphore, #tpu.memory_space<semaphore_mem>>)
    tpu.wait_dma2 semaphore(%arg15 : memref<!tpu.dma_semaphore, #tpu.memory_space<semaphore_mem>>) src(%arg4 : memref<16384xi32, #tpu.memory_space<hbm>>) dst(%arg11 : memref<16384xi32, #tpu.memory_space<vmem>>)
    tpu.wait_dma2 semaphore(%arg15 : memref<!tpu.dma_semaphore, #tpu.memory_space<semaphore_mem>>) src(%arg3 : memref<16384xi32, #tpu.memory_space<hbm>>) dst(%arg12 : memref<16384xi32, #tpu.memory_space<vmem>>)
    %dma_wait3A = tpu.memref_slice %arg5[%min3A_3] : memref<100000xi32, #tpu.memory_space<hbm>> -> memref<3128xi32, #tpu.memory_space<hbm>>
    %dma_wait3A_17 = tpu.memref_slice %arg5[%min3A_3] : memref<100000xi32, #tpu.memory_space<hbm>> -> memref<3128xi32, #tpu.memory_space<hbm>>
    tpu.wait_dma2 semaphore(%arg15 : memref<!tpu.dma_semaphore, #tpu.memory_space<semaphore_mem>>) src(%dma_wait3A_17 : memref<3128xi32, #tpu.memory_space<hbm>>) dst(%arg13 : memref<3128xi32, #tpu.memory_space<vmem>>)
    %iota3A = tpu.iota {dimensions = array<i32: 0>} : vector<16xi32>
    %broadcast_in_dim3A = arith.constant 0 : i32
    %broadcast_in_dim3A_18 = vector.broadcast %broadcast_in_dim3A : i32 to vector<16xi32>
    %shift_left3A = arith.constant 1 : i32
    %shift_left3A_19 = vector.broadcast %shift_left3A : i32 to vector<16xi32>
    %shift_left3A_20 = arith.shli %shift_left3A_19, %iota3A : vector<16xi32>
    %scan3A = arith.constant 0 : i32
    %scan3A_21 = arith.constant 0 : i32
    %scan3A_22 = arith.constant 512 : i32
    %scan3A_23 = arith.addi %scan3A_21, %scan3A_22 : i32
    %scan3A_24 = arith.constant 1 : i32
    scf.for %scan3A_104 = %scan3A_21 to %scan3A_23 step %scan3A_24  : i32 {
      %mul3A_105 = arith.constant 32 : i32
      %mul3A_106 = arith.muli %scan3A_104, %mul3A_105 : i32
      %add3A_107 = arith.constant 0 : i32
      %add3A_108 = arith.addi %mul3A_106, %add3A_107 : i32
      %get3A = arith.index_cast %add3A_108 : i32 to index
      %get3A_109 = tpu.vector_load %arg11[%get3A] {strides = array<i32>} : memref<16384xi32, #tpu.memory_space<vmem>>, vector<16xi32>,
      %get3A_110 = arith.index_cast %add3A_108 : i32 to index
      %get3A_111 = tpu.vector_load %arg12[%get3A_110] {strides = array<i32>} : memref<16384xi32, #tpu.memory_space<vmem>>, vector<16xi32>,
      %sub3A = vector.broadcast %min3A_3 : i32 to vector<16xi32>
      %sub3A_112 = arith.subi %get3A_109, %sub3A : vector<16xi32>
      %ge3A = arith.constant 0 : i32
      %ge3A_113 = vector.broadcast %ge3A : i32 to vector<16xi32>
      %ge3A_114 = arith.cmpi sge, %sub3A_112, %ge3A_113 : vector<16xi32>
      %lt3A = arith.constant 3128 : i32
      %lt3A_115 = vector.broadcast %lt3A : i32 to vector<16xi32>
      %lt3A_116 = arith.cmpi slt, %sub3A_112, %lt3A_115 : vector<16xi32>
      %and3A = arith.andi %ge3A_114, %lt3A_116 : vector<16xi1>
      %jit3A = arith.constant 0 : i32
      %broadcast_in_dim3A_117 = vector.broadcast %jit3A : i32 to vector<16xi32>
      %select_n3A = arith.select %and3A, %sub3A_112, %broadcast_in_dim3A_117 : vector<16xi1>, vector<16xi32>
      tpu.vector_store_idx %arg14[%select_n3A], %broadcast_in_dim3A_18 masked %and3A : memref<3128xi32, #tpu.memory_space<vmem>>[vector<16xi32>], vector<16xi32>, vector<16xi1>
      tpu.vector_store_idx %arg14[%select_n3A], %shift_left3A_20 masked %and3A {add = true} : memref<3128xi32, #tpu.memory_space<vmem>>[vector<16xi32>], vector<16xi32>, vector<16xi1>
      %gather3A = tpu.vector_load_idx %arg14[%select_n3A] masked %and3A : memref<3128xi32, #tpu.memory_space<vmem>>[vector<16xi32>], vector<16xi32>, vector<16xi1>
      %convert_element_type3A = arith.sitofp %gather3A : vector<16xi32> to vector<16xf32>
      %bitcast3A = vector.bitcast %convert_element_type3A : vector<16xf32> to vector<16xi32>
      %shift_right_arithmetic3A = arith.constant 23 : i32
      %shift_right_arithmetic3A_118 = vector.broadcast %shift_right_arithmetic3A : i32 to vector<16xi32>
      %shift_right_arithmetic3A_119 = arith.shrsi %bitcast3A, %shift_right_arithmetic3A_118 : vector<16xi32>
      %sub3A_120 = arith.constant 127 : i32
      %sub3A_121 = vector.broadcast %sub3A_120 : i32 to vector<16xi32>
      %sub3A_122 = arith.subi %shift_right_arithmetic3A_119, %sub3A_121 : vector<16xi32>
      %eq3A = arith.cmpi eq, %sub3A_122, %iota3A : vector<16xi32>
      %and3A_123 = arith.andi %and3A, %eq3A : vector<16xi1>
      tpu.vector_store_idx %arg13[%select_n3A], %get3A_111 masked %and3A_123 : memref<3128xi32, #tpu.memory_space<vmem>>[vector<16xi32>], vector<16xi32>, vector<16xi1>
      %mul3A_124 = arith.constant 32 : i32
      %mul3A_125 = arith.muli %scan3A_104, %mul3A_124 : i32
      %add3A_126 = arith.constant 16 : i32
      %add3A_127 = arith.addi %mul3A_125, %add3A_126 : i32
      %get3A_128 = arith.index_cast %add3A_127 : i32 to index
      %get3A_129 = tpu.vector_load %arg11[%get3A_128] {strides = array<i32>} : memref<16384xi32, #tpu.memory_space<vmem>>, vector<16xi32>,
      %get3A_130 = arith.index_cast %add3A_127 : i32 to index
      %get3A_131 = tpu.vector_load %arg12[%get3A_130] {strides = array<i32>} : memref<16384xi32, #tpu.memory_space<vmem>>, vector<16xi32>,
      %sub3A_132 = vector.broadcast %min3A_3 : i32 to vector<16xi32>
      %sub3A_133 = arith.subi %get3A_129, %sub3A_132 : vector<16xi32>
      %ge3A_134 = arith.constant 0 : i32
      %ge3A_135 = vector.broadcast %ge3A_134 : i32 to vector<16xi32>
      %ge3A_136 = arith.cmpi sge, %sub3A_133, %ge3A_135 : vector<16xi32>
      %lt3A_137 = arith.constant 3128 : i32
      %lt3A_138 = vector.broadcast %lt3A_137 : i32 to vector<16xi32>
      %lt3A_139 = arith.cmpi slt, %sub3A_133, %lt3A_138 : vector<16xi32>
      %and3A_140 = arith.andi %ge3A_136, %lt3A_139 : vector<16xi1>
      %jit3A_141 = arith.constant 0 : i32
      %broadcast_in_dim3A_142 = vector.broadcast %jit3A_141 : i32 to vector<16xi32>
      %select_n3A_143 = arith.select %and3A_140, %sub3A_133, %broadcast_in_dim3A_142 : vector<16xi1>, vector<16xi32>
      tpu.vector_store_idx %arg14[%select_n3A_143], %broadcast_in_dim3A_18 masked %and3A_140 : memref<3128xi32, #tpu.memory_space<vmem>>[vector<16xi32>], vector<16xi32>, vector<16xi1>
      tpu.vector_store_idx %arg14[%select_n3A_143], %shift_left3A_20 masked %and3A_140 {add = true} : memref<3128xi32, #tpu.memory_space<vmem>>[vector<16xi32>], vector<16xi32>, vector<16xi1>
      %gather3A_144 = tpu.vector_load_idx %arg14[%select_n3A_143] masked %and3A_140 : memref<3128xi32, #tpu.memory_space<vmem>>[vector<16xi32>], vector<16xi32>, vector<16xi1>
      %convert_element_type3A_145 = arith.sitofp %gather3A_144 : vector<16xi32> to vector<16xf32>
      %bitcast3A_146 = vector.bitcast %convert_element_type3A_145 : vector<16xf32> to vector<16xi32>
      %shift_right_arithmetic3A_147 = arith.constant 23 : i32
      %shift_right_arithmetic3A_148 = vector.broadcast %shift_right_arithmetic3A_147 : i32 to vector<16xi32>
      %shift_right_arithmetic3A_149 = arith.shrsi %bitcast3A_146, %shift_right_arithmetic3A_148 : vector<16xi32>
      %sub3A_150 = arith.constant 127 : i32
      %sub3A_151 = vector.broadcast %sub3A_150 : i32 to vector<16xi32>
      %sub3A_152 = arith.subi %shift_right_arithmetic3A_149, %sub3A_151 : vector<16xi32>
      %eq3A_153 = arith.cmpi eq, %sub3A_152, %iota3A : vector<16xi32>
      %and3A_154 = arith.andi %and3A_140, %eq3A_153 : vector<16xi1>
      tpu.vector_store_idx %arg13[%select_n3A_143], %get3A_131 masked %and3A_154 : memref<3128xi32, #tpu.memory_space<vmem>>[vector<16xi32>], vector<16xi32>, vector<16xi1>
    }
    %scan3A_25 = arith.constant 512 : i32
    "tpu.region"() ({
      %run_scoped3A = tpu.sem_alloc : memref<!tpu.dma_semaphore, #tpu.memory_space<semaphore_mem>>
      %dma_start3A_104 = tpu.memref_slice %arg7[%min3A_3] : memref<100000xi32, #tpu.memory_space<hbm>> -> memref<3128xi32, #tpu.memory_space<hbm>>
      %dma_start3A_105 = tpu.memref_slice %arg7[%min3A_3] : memref<100000xi32, #tpu.memory_space<hbm>> -> memref<3128xi32, #tpu.memory_space<hbm>>
      tpu.enqueue_dma source(%arg13 : memref<3128xi32, #tpu.memory_space<vmem>>) target(%dma_start3A_105 : memref<3128xi32, #tpu.memory_space<hbm>>) target_semaphore(%run_scoped3A : memref<!tpu.dma_semaphore, #tpu.memory_space<semaphore_mem>>)
      %dma_wait3A_106 = tpu.memref_slice %arg7[%min3A_3] : memref<100000xi32, #tpu.memory_space<hbm>> -> memref<3128xi32, #tpu.memory_space<hbm>>
      %dma_wait3A_107 = tpu.memref_slice %arg7[%min3A_3] : memref<100000xi32, #tpu.memory_space<hbm>> -> memref<3128xi32, #tpu.memory_space<hbm>>
      tpu.wait_dma2 semaphore(%run_scoped3A : memref<!tpu.dma_semaphore, #tpu.memory_space<semaphore_mem>>) src(%arg13 : memref<3128xi32, #tpu.memory_space<vmem>>) dst(%dma_wait3A_107 : memref<3128xi32, #tpu.memory_space<hbm>>)
      tpu.yield
    }) : () -> ()
    %dma_wait3A_26 = arith.constant 0 : i32
    %dma_wait3A_27 = tpu.memref_slice %arg8[%dma_wait3A_26] : memref<512xi32, #tpu.memory_space<vmem>> -> memref<128xi32, #tpu.memory_space<vmem>>
    %dma_wait3A_28 = arith.constant 0 : i32
    %dma_wait3A_29 = arith.constant 0 : i32
    %dma_wait3A_30 = tpu.memref_slice %arg2[%dma_wait3A_28, %dma_wait3A_29] : memref<8192x256xf32, #tpu.memory_space<hbm>> -> memref<8192x256xf32, #tpu.memory_space<hbm>>
    tpu.wait_indirect_dma semaphore(%arg16 : memref<!tpu.dma_semaphore, #tpu.memory_space<semaphore_mem>>) src(%dma_wait3A_30 : memref<8192x256xf32, #tpu.memory_space<hbm>>) dst(%arg9 : memref<128x256xf32, #tpu.memory_space<vmem>>)
    %mul3A_31 = arith.constant 512 : i32
    %mul3A_32 = arith.muli %add3A, %mul3A_31 : i32
    %add3A_33 = arith.constant 0 : i32
    %add3A_34 = arith.addi %mul3A_32, %add3A_33 : i32
    %dma_start3A_35 = arith.constant 0 : i32
    %dma_start3A_36 = tpu.memref_slice %arg6[%add3A_34, %dma_start3A_35] : memref<16384x256xf32, #tpu.memory_space<hbm>> -> memref<128x256xf32, #tpu.memory_space<hbm>>
    %dma_start3A_37 = arith.constant 0 : i32
    %dma_start3A_38 = tpu.memref_slice %arg6[%add3A_34, %dma_start3A_37] : memref<16384x256xf32, #tpu.memory_space<hbm>> -> memref<128x256xf32, #tpu.memory_space<hbm>>
    tpu.enqueue_dma source(%arg9 : memref<128x256xf32, #tpu.memory_space<vmem>>) target(%dma_start3A_38 : memref<128x256xf32, #tpu.memory_space<hbm>>) target_semaphore(%arg17 : memref<!tpu.dma_semaphore, #tpu.memory_space<semaphore_mem>>)
    %dma_wait3A_39 = arith.constant 0 : i32
    %dma_wait3A_40 = tpu.memref_slice %arg6[%add3A_34, %dma_wait3A_39] : memref<16384x256xf32, #tpu.memory_space<hbm>> -> memref<128x256xf32, #tpu.memory_space<hbm>>
    %dma_wait3A_41 = arith.constant 0 : i32
    %dma_wait3A_42 = tpu.memref_slice %arg6[%add3A_34, %dma_wait3A_41] : memref<16384x256xf32, #tpu.memory_space<hbm>> -> memref<128x256xf32, #tpu.memory_space<hbm>>
    tpu.wait_dma2 semaphore(%arg17 : memref<!tpu.dma_semaphore, #tpu.memory_space<semaphore_mem>>) src(%arg9 : memref<128x256xf32, #tpu.memory_space<vmem>>) dst(%dma_wait3A_42 : memref<128x256xf32, #tpu.memory_space<hbm>>)
    %dma_start3A_43 = arith.constant 256 : i32
    %dma_start3A_44 = tpu.memref_slice %arg8[%dma_start3A_43] : memref<512xi32, #tpu.memory_space<vmem>> -> memref<128xi32, #tpu.memory_space<vmem>>
    %dma_start3A_45 = arith.constant 0 : i32
    %dma_start3A_46 = arith.constant 0 : i32
    %dma_start3A_47 = tpu.memref_slice %arg2[%dma_start3A_45, %dma_start3A_46] : memref<8192x256xf32, #tpu.memory_space<hbm>> -> memref<8192x256xf32, #tpu.memory_space<hbm>>
    tpu.enqueue_indirect_dma source(%dma_start3A_47 : memref<8192x256xf32, #tpu.memory_space<hbm>>) target(%arg9 : memref<128x256xf32, #tpu.memory_space<vmem>>) offsets(%dma_start3A_44 : memref<128xi32, #tpu.memory_space<vmem>>) semaphore(%arg16 : memref<!tpu.dma_semaphore, #tpu.memory_space<semaphore_mem>>)
    %dma_wait3A_48 = arith.constant 128 : i32
    %dma_wait3A_49 = tpu.memref_slice %arg8[%dma_wait3A_48] : memref<512xi32, #tpu.memory_space<vmem>> -> memref<128xi32, #tpu.memory_space<vmem>>
    %dma_wait3A_50 = arith.constant 0 : i32
    %dma_wait3A_51 = arith.constant 0 : i32
    %dma_wait3A_52 = tpu.memref_slice %arg2[%dma_wait3A_50, %dma_wait3A_51] : memref<8192x256xf32, #tpu.memory_space<hbm>> -> memref<8192x256xf32, #tpu.memory_space<hbm>>
    tpu.wait_indirect_dma semaphore(%arg16 : memref<!tpu.dma_semaphore, #tpu.memory_space<semaphore_mem>>) src(%dma_wait3A_52 : memref<8192x256xf32, #tpu.memory_space<hbm>>) dst(%arg10 : memref<128x256xf32, #tpu.memory_space<vmem>>)
    %mul3A_53 = arith.constant 512 : i32
    %mul3A_54 = arith.muli %add3A, %mul3A_53 : i32
    %add3A_55 = arith.constant 128 : i32
    %add3A_56 = arith.addi %mul3A_54, %add3A_55 : i32
    %dma_start3A_57 = arith.constant 0 : i32
    %dma_start3A_58 = tpu.memref_slice %arg6[%add3A_56, %dma_start3A_57] : memref<16384x256xf32, #tpu.memory_space<hbm>> -> memref<128x256xf32, #tpu.memory_space<hbm>>
    %dma_start3A_59 = arith.constant 0 : i32
    %dma_start3A_60 = tpu.memref_slice %arg6[%add3A_56, %dma_start3A_59] : memref<16384x256xf32, #tpu.memory_space<hbm>> -> memref<128x256xf32, #tpu.memory_space<hbm>>
    tpu.enqueue_dma source(%arg10 : memref<128x256xf32, #tpu.memory_space<vmem>>) target(%dma_start3A_60 : memref<128x256xf32, #tpu.memory_space<hbm>>) target_semaphore(%arg17 : memref<!tpu.dma_semaphore, #tpu.memory_space<semaphore_mem>>)
    %dma_wait3A_61 = arith.constant 0 : i32
    %dma_wait3A_62 = tpu.memref_slice %arg6[%add3A_56, %dma_wait3A_61] : memref<16384x256xf32, #tpu.memory_space<hbm>> -> memref<128x256xf32, #tpu.memory_space<hbm>>
    %dma_wait3A_63 = arith.constant 0 : i32
    %dma_wait3A_64 = tpu.memref_slice %arg6[%add3A_56, %dma_wait3A_63] : memref<16384x256xf32, #tpu.memory_space<hbm>> -> memref<128x256xf32, #tpu.memory_space<hbm>>
    tpu.wait_dma2 semaphore(%arg17 : memref<!tpu.dma_semaphore, #tpu.memory_space<semaphore_mem>>) src(%arg10 : memref<128x256xf32, #tpu.memory_space<vmem>>) dst(%dma_wait3A_64 : memref<128x256xf32, #tpu.memory_space<hbm>>)
    %dma_start3A_65 = arith.constant 384 : i32
    %dma_start3A_66 = tpu.memref_slice %arg8[%dma_start3A_65] : memref<512xi32, #tpu.memory_space<vmem>> -> memref<128xi32, #tpu.memory_space<vmem>>
    %dma_start3A_67 = arith.constant 0 : i32
    %dma_start3A_68 = arith.constant 0 : i32
    %dma_start3A_69 = tpu.memref_slice %arg2[%dma_start3A_67, %dma_start3A_68] : memref<8192x256xf32, #tpu.memory_space<hbm>> -> memref<8192x256xf32, #tpu.memory_space<hbm>>
    tpu.enqueue_indirect_dma source(%dma_start3A_69 : memref<8192x256xf32, #tpu.memory_space<hbm>>) target(%arg10 : memref<128x256xf32, #tpu.memory_space<vmem>>) offsets(%dma_start3A_66 : memref<128xi32, #tpu.memory_space<vmem>>) semaphore(%arg16 : memref<!tpu.dma_semaphore, #tpu.memory_space<semaphore_mem>>)
    %dma_wait3A_70 = arith.constant 256 : i32
    %dma_wait3A_71 = tpu.memref_slice %arg8[%dma_wait3A_70] : memref<512xi32, #tpu.memory_space<vmem>> -> memref<128xi32, #tpu.memory_space<vmem>>
    %dma_wait3A_72 = arith.constant 0 : i32
    %dma_wait3A_73 = arith.constant 0 : i32
    %dma_wait3A_74 = tpu.memref_slice %arg2[%dma_wait3A_72, %dma_wait3A_73] : memref<8192x256xf32, #tpu.memory_space<hbm>> -> memref<8192x256xf32, #tpu.memory_space<hbm>>
    tpu.wait_indirect_dma semaphore(%arg16 : memref<!tpu.dma_semaphore, #tpu.memory_space<semaphore_mem>>) src(%dma_wait3A_74 : memref<8192x256xf32, #tpu.memory_space<hbm>>) dst(%arg9 : memref<128x256xf32, #tpu.memory_space<vmem>>)
    %mul3A_75 = arith.constant 512 : i32
    %mul3A_76 = arith.muli %add3A, %mul3A_75 : i32
    %add3A_77 = arith.constant 256 : i32
    %add3A_78 = arith.addi %mul3A_76, %add3A_77 : i32
    %dma_start3A_79 = arith.constant 0 : i32
    %dma_start3A_80 = tpu.memref_slice %arg6[%add3A_78, %dma_start3A_79] : memref<16384x256xf32, #tpu.memory_space<hbm>> -> memref<128x256xf32, #tpu.memory_space<hbm>>
    %dma_start3A_81 = arith.constant 0 : i32
    %dma_start3A_82 = tpu.memref_slice %arg6[%add3A_78, %dma_start3A_81] : memref<16384x256xf32, #tpu.memory_space<hbm>> -> memref<128x256xf32, #tpu.memory_space<hbm>>
    tpu.enqueue_dma source(%arg9 : memref<128x256xf32, #tpu.memory_space<vmem>>) target(%dma_start3A_82 : memref<128x256xf32, #tpu.memory_space<hbm>>) target_semaphore(%arg17 : memref<!tpu.dma_semaphore, #tpu.memory_space<semaphore_mem>>)
    %dma_wait3A_83 = arith.constant 384 : i32
    %dma_wait3A_84 = tpu.memref_slice %arg8[%dma_wait3A_83] : memref<512xi32, #tpu.memory_space<vmem>> -> memref<128xi32, #tpu.memory_space<vmem>>
    %dma_wait3A_85 = arith.constant 0 : i32
    %dma_wait3A_86 = arith.constant 0 : i32
    %dma_wait3A_87 = tpu.memref_slice %arg2[%dma_wait3A_85, %dma_wait3A_86] : memref<8192x256xf32, #tpu.memory_space<hbm>> -> memref<8192x256xf32, #tpu.memory_space<hbm>>
    tpu.wait_indirect_dma semaphore(%arg16 : memref<!tpu.dma_semaphore, #tpu.memory_space<semaphore_mem>>) src(%dma_wait3A_87 : memref<8192x256xf32, #tpu.memory_space<hbm>>) dst(%arg10 : memref<128x256xf32, #tpu.memory_space<vmem>>)
    %mul3A_88 = arith.constant 512 : i32
    %mul3A_89 = arith.muli %add3A, %mul3A_88 : i32
    %add3A_90 = arith.constant 384 : i32
    %add3A_91 = arith.addi %mul3A_89, %add3A_90 : i32
    %dma_start3A_92 = arith.constant 0 : i32
    %dma_start3A_93 = tpu.memref_slice %arg6[%add3A_91, %dma_start3A_92] : memref<16384x256xf32, #tpu.memory_space<hbm>> -> memref<128x256xf32, #tpu.memory_space<hbm>>
    %dma_start3A_94 = arith.constant 0 : i32
    %dma_start3A_95 = tpu.memref_slice %arg6[%add3A_91, %dma_start3A_94] : memref<16384x256xf32, #tpu.memory_space<hbm>> -> memref<128x256xf32, #tpu.memory_space<hbm>>
    tpu.enqueue_dma source(%arg10 : memref<128x256xf32, #tpu.memory_space<vmem>>) target(%dma_start3A_95 : memref<128x256xf32, #tpu.memory_space<hbm>>) target_semaphore(%arg17 : memref<!tpu.dma_semaphore, #tpu.memory_space<semaphore_mem>>)
    %dma_wait3A_96 = arith.constant 0 : i32
    %dma_wait3A_97 = tpu.memref_slice %arg6[%add3A_78, %dma_wait3A_96] : memref<16384x256xf32, #tpu.memory_space<hbm>> -> memref<128x256xf32, #tpu.memory_space<hbm>>
    %dma_wait3A_98 = arith.constant 0 : i32
    %dma_wait3A_99 = tpu.memref_slice %arg6[%add3A_78, %dma_wait3A_98] : memref<16384x256xf32, #tpu.memory_space<hbm>> -> memref<128x256xf32, #tpu.memory_space<hbm>>
    tpu.wait_dma2 semaphore(%arg17 : memref<!tpu.dma_semaphore, #tpu.memory_space<semaphore_mem>>) src(%arg9 : memref<128x256xf32, #tpu.memory_space<vmem>>) dst(%dma_wait3A_99 : memref<128x256xf32, #tpu.memory_space<hbm>>)
    %dma_wait3A_100 = arith.constant 0 : i32
    %dma_wait3A_101 = tpu.memref_slice %arg6[%add3A_91, %dma_wait3A_100] : memref<16384x256xf32, #tpu.memory_space<hbm>> -> memref<128x256xf32, #tpu.memory_space<hbm>>
    %dma_wait3A_102 = arith.constant 0 : i32
    %dma_wait3A_103 = tpu.memref_slice %arg6[%add3A_91, %dma_wait3A_102] : memref<16384x256xf32, #tpu.memory_space<hbm>> -> memref<128x256xf32, #tpu.memory_space<hbm>>
    tpu.wait_dma2 semaphore(%arg17 : memref<!tpu.dma_semaphore, #tpu.memory_space<semaphore_mem>>) src(%arg10 : memref<128x256xf32, #tpu.memory_space<vmem>>) dst(%dma_wait3A_103 : memref<128x256xf32, #tpu.memory_space<hbm>>)
    return
  }
}

module attributes {stable_mosaic.version = 14 : i64} {
  func.func @_dist_body(%arg0: i32, %arg1: i32, %arg2: memref<2048x256xf32, #tpu.memory_space<vmem>>, %arg3: memref<1024x256xf32, #tpu.memory_space<vmem>>, %arg4: memref<1x1024xf32, #tpu.memory_space<vmem>>, %arg5: memref<2048x1xi32, #tpu.memory_space<vmem>>, %arg6: memref<1x1x128xf32, #tpu.memory_space<vmem>>, %arg7: memref<2048x1xf32, #tpu.memory_space<vmem>>, %arg8: memref<2048x1024xf32, #tpu.memory_space<vmem>>, %arg9: memref<2048x1024xf32, #tpu.memory_space<vmem>>) attributes {dimension_semantics = [#tpu.dimension_semantics<arbitrary>, #tpu.dimension_semantics<arbitrary>], iteration_bounds = array<i64: 8, 8>, scalar_prefetch = 0 : i64, scratch_operands = 3 : i64, tpu.core_type = #tpu.core_type<tc>, window_params = [{transform_indices = @transform_0, window_bounds = array<i64: 2048, 256>}, {transform_indices = @transform_1, window_bounds = array<i64: 1024, 256>}, {pipeline_mode = #tpu.pipeline_mode<synchronous>, transform_indices = @transform_2, window_bounds = array<i64: 1, 1024>}, {transform_indices = @transform_3, window_bounds = array<i64: 2048, 1>}, {transform_indices = @transform_4, window_bounds = array<i64: 1, 1, 128>}]} {
    %eq3A = arith.constant 0 : i32
    %eq3A_0 = arith.cmpi eq, %arg1, %eq3A : i32
    %convert_element_type3A = arith.extui %eq3A_0 : i1 to i32
    %cond3A = arith.constant 0 : i32
    %cond3A_1 = arith.cmpi ne, %convert_element_type3A, %cond3A : i32
    scf.if %cond3A_1 {
      %get3A_32 = arith.constant 0 : index
      %get3A_33 = arith.constant 0 : index
      %get3A_34 = vector.load %arg2[%get3A_32, %get3A_33] : memref<2048x256xf32, #tpu.memory_space<vmem>>, vector<2048x256xf32>
      %mul3A_35 = arith.mulf %get3A_34, %get3A_34 : vector<2048x256xf32>
      %reduce_sum3A_36 = arith.constant dense<0.000000e+00> : vector<2048xf32>
      %reduce_sum3A_37 = vector.multi_reduction <add>, %mul3A_35, %reduce_sum3A_36 [1] : vector<2048x256xf32> to vector<2048xf32>
      %broadcast_in_dim3A_38 = vector.shape_cast %reduce_sum3A_37 : vector<2048xf32> to vector<2048x1xf32>
      %swap3A = arith.constant 0 : index
      %swap3A_39 = arith.constant 0 : index
      %swap3A_40 = vector.load %arg7[%swap3A, %swap3A_39] : memref<2048x1xf32, #tpu.memory_space<vmem>>, vector<2048x1xf32>
      tpu.vector_store %arg7[%swap3A, %swap3A_39], %broadcast_in_dim3A_38 {strides = array<i32>} : memref<2048x1xf32, #tpu.memory_space<vmem>>, vector<2048x1xf32>,
    } else {
    }
    %get3A = arith.constant 0 : index
    %get3A_2 = arith.constant 0 : index
    %get3A_3 = vector.load %arg2[%get3A, %get3A_2] : memref<2048x256xf32, #tpu.memory_space<vmem>>, vector<2048x256xf32>
    %get3A_4 = arith.constant 0 : index
    %get3A_5 = arith.constant 0 : index
    %get3A_6 = vector.load %arg3[%get3A_4, %get3A_5] : memref<1024x256xf32, #tpu.memory_space<vmem>>, vector<1024x256xf32>
    %dot_general3A = arith.constant dense<0.000000e+00> : vector<2048x1024xf32>
    %dot_general3A_7 = tpu.matmul %get3A_3, %get3A_6, %dot_general3A {dimension_numbers = #tpu.dot_dimension_numbers<[1], [1], [0], [0], [0, 0, 1, 0], [], []>, transpose_lhs_hint = false} : vector<2048x256xf32>, vector<1024x256xf32>, vector<2048x1024xf32> -> vector<2048x1024xf32>
    %mul3A = arith.mulf %get3A_6, %get3A_6 : vector<1024x256xf32>
    %reduce_sum3A = arith.constant dense<0.000000e+00> : vector<1024xf32>
    %reduce_sum3A_8 = vector.multi_reduction <add>, %mul3A, %reduce_sum3A [1] : vector<1024x256xf32> to vector<1024xf32>
    %broadcast_in_dim3A = vector.shape_cast %reduce_sum3A_8 : vector<1024xf32> to vector<1x1024xf32>
    %mul3A_9 = arith.constant 2.500000e-01 : f32
    %mul3A_10 = vector.broadcast %mul3A_9 : f32 to vector<1x1024xf32>
    %mul3A_11 = arith.mulf %mul3A_10, %broadcast_in_dim3A : vector<1x1024xf32>
    %get3A_12 = arith.constant 0 : index
    %get3A_13 = arith.constant 0 : index
    %get3A_14 = vector.load %arg7[%get3A_12, %get3A_13] : memref<2048x1xf32, #tpu.memory_space<vmem>>, vector<2048x1xf32>
    %add3A = vector.broadcast %get3A_14 : vector<2048x1xf32> to vector<2048x1024xf32>
    %add3A_15 = arith.addf %add3A, %dot_general3A_7 : vector<2048x1024xf32>
    %add3A_16 = vector.broadcast %mul3A_11 : vector<1x1024xf32> to vector<2048x1024xf32>
    %add3A_17 = arith.addf %add3A_15, %add3A_16 : vector<2048x1024xf32>
    %eq3A_18 = arith.constant 0 : i32
    %eq3A_19 = arith.cmpi eq, %arg1, %eq3A_18 : i32
    %convert_element_type3A_20 = arith.extui %eq3A_19 : i1 to i32
    %cond3A_21 = arith.constant 0 : i32
    %cond3A_22 = arith.cmpi ne, %convert_element_type3A_20, %cond3A_21 : i32
    scf.if %cond3A_22 {
      %swap3A = arith.constant 0 : index
      %swap3A_32 = arith.constant 0 : index
      %swap3A_33 = vector.load %arg8[%swap3A, %swap3A_32] : memref<2048x1024xf32, #tpu.memory_space<vmem>>, vector<2048x1024xf32>
      tpu.vector_store %arg8[%swap3A, %swap3A_32], %add3A_17 {strides = array<i32>} : memref<2048x1024xf32, #tpu.memory_space<vmem>>, vector<2048x1024xf32>,
      %broadcast_in_dim3A_34 = arith.constant 0.000000e+00 : f32
      %broadcast_in_dim3A_35 = vector.broadcast %broadcast_in_dim3A_34 : f32 to vector<2048x1024xf32>
      %swap3A_36 = arith.constant 0 : index
      %swap3A_37 = arith.constant 0 : index
      %swap3A_38 = vector.load %arg9[%swap3A_36, %swap3A_37] : memref<2048x1024xf32, #tpu.memory_space<vmem>>, vector<2048x1024xf32>
      tpu.vector_store %arg9[%swap3A_36, %swap3A_37], %broadcast_in_dim3A_35 {strides = array<i32>} : memref<2048x1024xf32, #tpu.memory_space<vmem>>, vector<2048x1024xf32>,
    } else {
    }
    %gt3A = arith.constant 0 : i32
    %gt3A_23 = arith.cmpi sgt, %arg1, %gt3A : i32
    %convert_element_type3A_24 = arith.extui %gt3A_23 : i1 to i32
    %cond3A_25 = arith.constant 0 : i32
    %cond3A_26 = arith.cmpi ne, %convert_element_type3A_24, %cond3A_25 : i32
    scf.if %cond3A_26 {
      %get3A_32 = arith.constant 0 : index
      %get3A_33 = arith.constant 0 : index
      %get3A_34 = vector.load %arg8[%get3A_32, %get3A_33] : memref<2048x1024xf32, #tpu.memory_space<vmem>>, vector<2048x1024xf32>
      %lt3A = arith.cmpf olt, %add3A_17, %get3A_34 : vector<2048x1024xf32>
      %convert_element_type3A_35 = arith.sitofp %arg1 : i32 to f32
      %get3A_36 = arith.constant 0 : index
      %get3A_37 = arith.constant 0 : index
      %get3A_38 = vector.load %arg9[%get3A_36, %get3A_37] : memref<2048x1024xf32, #tpu.memory_space<vmem>>, vector<2048x1024xf32>
      %broadcast_in_dim3A_39 = vector.broadcast %convert_element_type3A_35 : f32 to vector<2048x1024xf32>
      %select_n3A = arith.select %lt3A, %broadcast_in_dim3A_39, %get3A_38 : vector<2048x1024xi1>, vector<2048x1024xf32>
      %swap3A = arith.constant 0 : index
      %swap3A_40 = arith.constant 0 : index
      %swap3A_41 = vector.load %arg9[%swap3A, %swap3A_40] : memref<2048x1024xf32, #tpu.memory_space<vmem>>, vector<2048x1024xf32>
      tpu.vector_store %arg9[%swap3A, %swap3A_40], %select_n3A {strides = array<i32>} : memref<2048x1024xf32, #tpu.memory_space<vmem>>, vector<2048x1024xf32>,
      %min3A = arith.minimumf %add3A_17, %get3A_34 : vector<2048x1024xf32>
      %swap3A_42 = arith.constant 0 : index
      %swap3A_43 = arith.constant 0 : index
      %swap3A_44 = vector.load %arg8[%swap3A_42, %swap3A_43] : memref<2048x1024xf32, #tpu.memory_space<vmem>>, vector<2048x1024xf32>
      tpu.vector_store %arg8[%swap3A_42, %swap3A_43], %min3A {strides = array<i32>} : memref<2048x1024xf32, #tpu.memory_space<vmem>>, vector<2048x1024xf32>,
    } else {
    }
    %eq3A_27 = arith.constant 7 : i32
    %eq3A_28 = arith.cmpi eq, %arg1, %eq3A_27 : i32
    %convert_element_type3A_29 = arith.extui %eq3A_28 : i1 to i32
    %cond3A_30 = arith.constant 0 : i32
    %cond3A_31 = arith.cmpi ne, %convert_element_type3A_29, %cond3A_30 : i32
    scf.if %cond3A_31 {
      %get3A_32 = arith.constant 0 : index
      %get3A_33 = arith.constant 0 : index
      %get3A_34 = vector.load %arg8[%get3A_32, %get3A_33] : memref<2048x1024xf32, #tpu.memory_space<vmem>>, vector<2048x1024xf32>
      %reduce_min3A = arith.constant dense<0x7F800000> : vector<2048xf32>
      %reduce_min3A_35 = vector.multi_reduction <minimumf>, %get3A_34, %reduce_min3A [1] : vector<2048x1024xf32> to vector<2048xf32>
      %broadcast_in_dim3A_36 = vector.shape_cast %reduce_min3A_35 : vector<2048xf32> to vector<2048x1xf32>
      %get3A_37 = arith.constant 0 : index
      %get3A_38 = arith.constant 0 : index
      %get3A_39 = vector.load %arg9[%get3A_37, %get3A_38] : memref<2048x1024xf32, #tpu.memory_space<vmem>>, vector<2048x1024xf32>
      %mul3A_40 = arith.constant 1.024000e+03 : f32
      %mul3A_41 = vector.broadcast %mul3A_40 : f32 to vector<2048x1024xf32>
      %mul3A_42 = arith.mulf %get3A_39, %mul3A_41 : vector<2048x1024xf32>
      %get3A_43 = arith.constant 0 : index
      %get3A_44 = arith.constant 0 : index
      %get3A_45 = vector.load %arg4[%get3A_43, %get3A_44] : memref<1x1024xf32, #tpu.memory_space<vmem>>, vector<1x1024xf32>
      %add3A_46 = vector.broadcast %get3A_45 : vector<1x1024xf32> to vector<2048x1024xf32>
      %add3A_47 = arith.addf %mul3A_42, %add3A_46 : vector<2048x1024xf32>
      %eq3A_48 = vector.broadcast %broadcast_in_dim3A_36 : vector<2048x1xf32> to vector<2048x1024xf32>
      %eq3A_49 = arith.cmpf oeq, %get3A_34, %eq3A_48 : vector<2048x1024xf32>
      %jit3A = arith.constant 3.000000e+08 : f32
      %broadcast_in_dim3A_50 = vector.broadcast %jit3A : f32 to vector<2048x1024xf32>
      %select_n3A = arith.select %eq3A_49, %add3A_47, %broadcast_in_dim3A_50 : vector<2048x1024xi1>, vector<2048x1024xf32>
      %reduce_min3A_51 = arith.constant dense<0x7F800000> : vector<2048xf32>
      %reduce_min3A_52 = vector.multi_reduction <minimumf>, %select_n3A, %reduce_min3A_51 [1] : vector<2048x1024xf32> to vector<2048xf32>
      %broadcast_in_dim3A_53 = vector.shape_cast %reduce_min3A_52 : vector<2048xf32> to vector<2048x1xf32>
      %convert_element_type3A_54 = arith.fptosi %broadcast_in_dim3A_53 : vector<2048x1xf32> to vector<2048x1xi32>
      %swap3A = arith.constant 0 : index
      %swap3A_55 = arith.constant 0 : index
      %swap3A_56 = vector.load %arg5[%swap3A, %swap3A_55] : memref<2048x1xi32, #tpu.memory_space<vmem>>, vector<2048x1xi32>
      tpu.vector_store %arg5[%swap3A, %swap3A_55], %convert_element_type3A_54 {strides = array<i32>} : memref<2048x1xi32, #tpu.memory_space<vmem>>, vector<2048x1xi32>,
      %max3A = arith.constant 0.000000e+00 : f32
      %max3A_57 = vector.broadcast %max3A : f32 to vector<2048x1xf32>
      %max3A_58 = arith.maximumf %broadcast_in_dim3A_36, %max3A_57 : vector<2048x1xf32>
      %reduce_sum3A_59 = vector.shape_cast %max3A_58 : vector<2048x1xf32> to vector<1x2048x1xf32>
      %reduce_sum3A_60 = arith.constant dense<0.000000e+00> : vector<1xf32>
      %reduce_sum3A_61 = vector.multi_reduction <add>, %reduce_sum3A_59, %reduce_sum3A_60 [1, 2] : vector<1x2048x1xf32> to vector<1xf32>
      %reduce_sum3A_62 = vector.shape_cast %reduce_sum3A_61 : vector<1xf32> to vector<1x1x1xf32>
      %reduce_sum3A_63 = vector.extract %reduce_sum3A_62[0, 0, 0] : f32 from vector<1x1x1xf32>
      %sqrt3A = math.sqrt %max3A_58 : vector<2048x1xf32>
      %reduce_sum3A_64 = vector.shape_cast %sqrt3A : vector<2048x1xf32> to vector<1x2048x1xf32>
      %reduce_sum3A_65 = arith.constant dense<0.000000e+00> : vector<1xf32>
      %reduce_sum3A_66 = vector.multi_reduction <add>, %reduce_sum3A_64, %reduce_sum3A_65 [1, 2] : vector<1x2048x1xf32> to vector<1xf32>
      %reduce_sum3A_67 = vector.shape_cast %reduce_sum3A_66 : vector<1xf32> to vector<1x1x1xf32>
      %reduce_sum3A_68 = vector.extract %reduce_sum3A_67[0, 0, 0] : f32 from vector<1x1x1xf32>
      %iota3A = tpu.iota {dimensions = array<i32: 2>} : vector<1x1x128xi32>
      %eq3A_69 = arith.constant 0 : i32
      %eq3A_70 = vector.broadcast %eq3A_69 : i32 to vector<1x1x128xi32>
      %eq3A_71 = arith.cmpi eq, %iota3A, %eq3A_70 : vector<1x1x128xi32>
      %eq3A_72 = arith.constant 1 : i32
      %eq3A_73 = vector.broadcast %eq3A_72 : i32 to vector<1x1x128xi32>
      %eq3A_74 = arith.cmpi eq, %iota3A, %eq3A_73 : vector<1x1x128xi32>
      %jit3A_75 = arith.constant 0.000000e+00 : f32
      %broadcast_in_dim3A_76 = vector.broadcast %reduce_sum3A_68 : f32 to vector<1x1x128xf32>
      %broadcast_in_dim3A_77 = vector.broadcast %jit3A_75 : f32 to vector<1x1x128xf32>
      %select_n3A_78 = arith.select %eq3A_74, %broadcast_in_dim3A_76, %broadcast_in_dim3A_77 : vector<1x1x128xi1>, vector<1x1x128xf32>
      %broadcast_in_dim3A_79 = vector.broadcast %reduce_sum3A_63 : f32 to vector<1x1x128xf32>
      %select_n3A_80 = arith.select %eq3A_71, %broadcast_in_dim3A_79, %select_n3A_78 : vector<1x1x128xi1>, vector<1x1x128xf32>
      %swap3A_81 = arith.constant 0 : index
      %swap3A_82 = arith.constant 0 : index
      %swap3A_83 = arith.constant 0 : index
      %swap3A_84 = vector.load %arg6[%swap3A_81, %swap3A_82, %swap3A_83] : memref<1x1x128xf32, #tpu.memory_space<vmem>>, vector<1x1x128xf32>
      tpu.vector_store %arg6[%swap3A_81, %swap3A_82, %swap3A_83], %select_n3A_80 {strides = array<i32>} : memref<1x1x128xf32, #tpu.memory_space<vmem>>, vector<1x1x128xf32>,
    } else {
    }
    return
  }
  func.func @transform_0(%arg0: i32, %arg1: i32) -> (i32, i32) {
    %c0_i32 = arith.constant 0 : i32
    %c0_i32_0 = arith.constant 0 : i32
    return %arg0, %c0_i32 : i32, i32
  }
  func.func @transform_1(%arg0: i32, %arg1: i32) -> (i32, i32) {
    %c0_i32 = arith.constant 0 : i32
    %c0_i32_0 = arith.constant 0 : i32
    return %arg1, %c0_i32 : i32, i32
  }
  func.func @transform_2(%arg0: i32, %arg1: i32) -> (i32, i32) {
    %c0_i32 = arith.constant 0 : i32
    %c0_i32_0 = arith.constant 0 : i32
    %c0_i32_1 = arith.constant 0 : i32
    return %c0_i32, %c0_i32_0 : i32, i32
  }
  func.func @transform_3(%arg0: i32, %arg1: i32) -> (i32, i32) {
    %c0_i32 = arith.constant 0 : i32
    %c0_i32_0 = arith.constant 0 : i32
    return %arg0, %c0_i32 : i32, i32
  }
  func.func @transform_4(%arg0: i32, %arg1: i32) -> (i32, i32, i32) {
    %c0_i32 = arith.constant 0 : i32
    %c0_i32_0 = arith.constant 0 : i32
    %c0_i32_1 = arith.constant 0 : i32
    return %arg0, %c0_i32, %c0_i32_0 : i32, i32, i32
  }
}

</mosaic_0001>

<sc_bundles>
// kernel: kernel.4.cloned.1.call-start
scs
__scs_entry_jumppad:
0x0: {  	(pc) =	sbr.rel $0x88, $3  }
0x1: {  	(tag) =	ssettag $0x0;
	lr =	simm.s32 $0x1  }
0x2: {  	[smem:$0x3F9D] =	sst lr;
	_ =	strace $0xD0000000  }
0x3: {  	_ = 	snop  }
0x4: {  	_ = 	snop  }
0x5: {  	_ = 	snop  }
0x6: {  	_ = 	snop  }
0x7: {  	_ = 	snop  }
__scs_overlays_trampoline_lowered:
0x8: {  	[smem:$0x3FAC] =	sst s0  }
0x9: {  	[smem:$0x3FAD] =	sst s1  }
0xa: {  	[smem:$0x3FAE] =	sst s2  }
0xb: {  	[smem:$0x3FAF] =	sst s3  }
0xc: {  	[smem:$0x3FB0] =	sst s4  }
0xd: {  	[smem:$0x3FB1] =	sst s5  }
0xe: {  	[smem:$0x3FB2] =	sst s6  }
0xf: {  	[smem:$0x3FB3] =	sst s7  }
0x10: {  	[smem:$0x3FB4] =	sst s8  }
0x11: {  	[smem:$0x3FB5] =	sst s9;
	s0 =	simm.s32 @!p0 $0x0  }
0x12: {  	s1 =	sld [smem:$0x3F9B];
	s0 =	simm.s32 @p0 $0x1  }
0x13: {  	[smem:$0x3FB6] =	sst s0;
	s0 =	simm.s32 @!p1 $0x0  }
0x14: {  	s2 =	sld [smem:$0x3F9A];
	s0 =	simm.s32 @p1 $0x1  }
0x15: {  	[smem:$0x3FB7] =	sst s0;
	s0 =	simm.s32 @!p2 $0x0  }
0x16: {  	s3 =	sld [smem:$0x3FDB];
	s0 =	simm.s32 @p2 $0x1  }
0x17: {  	s4 =	simm.s32 $0x1BF5;
	[smem:$0x3FB9] =	sst s0  }
0x18: {  	s0 =	sld [smem:$0x3F9C];
	_ =	swait.ge [sflag:s4], $0x0  }
0x19: {  	s7 =	sld [smem:$0x3F9D]  }
0x1a: {  	s8 =	sadd.s32 $0xFFFFE003, lr  }
0x1b: {  	s9 =	sadd.s32 $0xFFFFFEF7, lr;
	s5 =	simm.s32 $0xFFFFFFFF;
	p2 =	slt.u32 s8, $0xFFFFF086  }
0x1c: {  	p1 =	slt.u32 s9, $0xF7A;
	s5 =	simm.s32 @!p2 $0x0  }
0x1d: {  	s5 =	simm.s32 @p1 $0x1;
	p0 =	seq.s32 s7, s2  }
0x1e: {  	s7 =	smul.u32 @!p0 $0xF7A, s2;
	p2 =	seq.s32 @!p0 s5, $0x0  }
0x1f: {  	s9 =	smul.u32 $0xF7A, s1;
	s8 =	simm.s32 @!p0 $0x1BF5;
	p2 =	por !p2, p0  }
0x20: {  	[sflag:s8] =	ssyncset.s32 @!p0 $0xFFFFF086;
	s6 =	sadd.s32 @!p0 s3, s7;
	s7 =	simm.s32 @!p0 $0x108  }
0x21: {  	s3 =	sadd.s32 s3, s9;
	s6 =	sadd.s32 @!p0 $0x88, s6;
	s7 =	simm.s32 @p2 $0x1082  }
0x22: {  	[simem:s7], [sflag:s8] =	dma.local @!p0 [hbm:s6], $0xF7A  }
0x23: {  	s9 =	sor.u32 $0xD0000000, s2;
	s6 =	simm.s32 $0x108;
	_ =	swait.ge @!p0 [sflag:s8], $0x0  }
0x24: {  	s3 =	sadd.s32 $0x88, s3;
	s6 =	simm.s32 @!p1 $0x1082;
	[sflag:s4] =	ssyncset.s32 $0xFFFFF086  }
0x25: {  	[simem:s6], [sflag:s4] =	dma.local [hbm:s3], $0xF7A  }
0x26: {  	[smem:$0x3F9D] =	sst s1;
	(tag) =	ssettag s2;
	_ =	strace s9  }
0x27: {  	s1 =	sld [smem:$0x3FAD]  }
0x28: {  	s2 =	sld [smem:$0x3FAE]  }
0x29: {  	s4 =	sld [smem:$0x3FB0]  }
0x2a: {  	p0 =	seq.s32 s5, $0x0;
	s5 =	sld [smem:$0x3FB1]  }
0x2b: {  	s6 =	sld [smem:$0x3FB2]  }
0x2c: {  	s7 =	sld [smem:$0x3FB3]  }
0x2d: {  	s3 =	simm.s32 $0x108;
	s8 =	sld [smem:$0x3FB4]  }
0x2e: {  	s3 =	simm.s32 @!p0 $0x1082;
	s9 =	sld [smem:$0x3FB5]  }
0x2f: {  	lr =	sadd.s32 s0, s3;
	s0 =	sld [smem:$0x3FAC]  }
0x30: {  	s3 =	sld [smem:$0x3FAF]  }
0x31: {  	[smem:$0x3FB8] =	sst s10  }
0x32: {  	s10 =	sld [smem:$0x3FB6];
	_ =	sdelay $0x3  }
0x33: {  	p0 =	seq.s32 s10, $0x1;
	s10 =	sld [smem:$0x3FB8];
	_ =	sdelay $0x3  }
0x34: {  	[smem:$0x3FB8] =	sst s10  }
0x35: {  	s10 =	sld [smem:$0x3FB7];
	_ =	sdelay $0x3  }
0x36: {  	p1 =	seq.s32 s10, $0x1;
	s10 =	sld [smem:$0x3FB8];
	_ =	sdelay $0x3  }
0x37: {  	[smem:$0x3FB8] =	sst s10  }
0x38: {  	s10 =	sld [smem:$0x3FB9]  }
0x39: {  	_ = 	snop;
	(pc) =	sbr.ind lr, $3  }
0x3a: {  	_ = 	snop  }
0x3b: {  	_ = 	snop  }
0x3c: {  	p2 =	seq.s32 s10, $0x1;
	s10 =	sld [smem:$0x3FB8]  }
0x3d: {  	_ =	shalt  }
0x3e: {  	_ =	shalt  }
0x3f: {  	_ =	shalt  }
0x40: {  	_ =	shalt  }
0x41: {  	_ =	shalt  }
0x42: {  	_ =	shalt  }
0x43: {  	_ =	shalt  }
0x44: {  	_ =	shalt  }
0x45: {  	_ =	shalt  }
0x46: {  	_ =	shalt  }
0x47: {  	_ =	shalt  }
0x48: {  	_ =	shalt  }
0x49: {  	_ =	shalt  }
0x4a: {  	_ =	shalt  }
0x4b: {  	_ =	shalt  }
0x4c: {  	_ =	shalt  }
0x4d: {  	_ =	shalt  }
0x4e: {  	_ =	shalt  }
0x4f: {  	_ =	shalt  }
0x50: {  	_ =	shalt  }
0x51: {  	_ =	shalt  }
0x52: {  	_ =	shalt  }
0x53: {  	_ =	shalt  }
0x54: {  	_ =	shalt  }
0x55: {  	_ =	shalt  }
0x56: {  	_ =	shalt  }
0x57: {  	_ =	shalt  }
0x58: {  	_ =	shalt  }
0x59: {  	_ =	shalt  }
0x5a: {  	_ =	shalt  }
0x5b: {  	_ =	shalt  }
0x5c: {  	_ =	shalt  }
0x5d: {  	_ =	shalt  }
0x5e: {  	_ =	shalt  }
0x5f: {  	_ =	shalt  }
0x60: {  	_ =	shalt  }
0x61: {  	_ =	shalt  }
0x62: {  	_ =	shalt  }
0x63: {  	_ =	shalt  }
0x64: {  	_ =	shalt  }
0x65: {  	_ =	shalt  }
0x66: {  	_ =	shalt  }
0x67: {  	_ =	shalt  }
0x68: {  	_ =	shalt  }
0x69: {  	_ =	shalt  }
0x6a: {  	_ =	shalt  }
0x6b: {  	_ =	shalt  }
0x6c: {  	_ =	shalt  }
0x6d: {  	_ =	shalt  }
0x6e: {  	_ =	shalt  }
0x6f: {  	_ =	shalt  }
0x70: {  	_ =	shalt  }
0x71: {  	_ =	shalt  }
0x72: {  	_ =	shalt  }
0x73: {  	_ =	shalt  }
0x74: {  	_ =	shalt  }
0x75: {  	_ =	shalt  }
0x76: {  	_ =	shalt  }
0x77: {  	_ =	shalt  }
0x78: {  	_ =	shalt  }
0x79: {  	_ =	shalt  }
0x7a: {  	_ =	shalt  }
0x7b: {  	_ =	shalt  }
0x7c: {  	_ =	shalt  }
0x7d: {  	_ =	shalt  }
0x7e: {  	_ =	shalt  }
0x7f: {  	_ =	shalt  }
0x80: {  	_ =	shalt  }
0x81: {  	_ =	shalt  }
0x82: {  	_ =	shalt  }
0x83: {  	_ =	shalt  }
0x84: {  	_ =	shalt  }
0x85: {  	_ =	shalt  }
0x86: {  	_ =	shalt  }
0x87: {  	_ =	shalt  }
.Lfunc_end0:
.L_simem_size_0:
called_computation_lowered:
.L_overlay_start_0:
0x88: {  	s2 =	sld [smem:$0x3FD9]  }
0x89: {  	s3 =	sld [smem:$0x3FFE];
	_ =	sdelay $0x1  }
0x8a: {  	s1 =	srdreg.scid  }
0x8b: {  	s0 =	sand.u32 $0x1, s1  }
0x8c: {  	s15 =	sshll.u32 s0, $0xA;
	s2 =	sadd.s32 s3, s2  }
0x8d: {  	s2 =	sadd.s32 s2, s15  }
0x8e: {  	[smem:$0x3FC4] =	sst s2  }
0x8f: {  	_ = 	snop  }
0x90: {  	s2 =	sld [smem:$0x3FD0]  }
0x91: {  	s16 =	sld [smem:$0x3FC8]  }
0x92: {  	s4 =	sld [smem:$0x3FC7]  }
0x93: {  	s6 =	simm.s32 $0xA;
	s7 =	simm.s32 $0x10;
	s5 =	sld [smem:$0x3FC6]  }
0x94: {  	[smem:s7], [sflag:s6] =	dma.local [hbm:s2], $0x1  }
0x95: {  	_ =	swait.eq [sflag:s6], $0x1  }
0x96: {  	s17 =	sld [smem:$0x10];
	[sflag:s6] =	ssyncset.done $0x0  }
0x97: {  	s18 =	sld [smem:$0x12];
	[sflag:s6] =	ssyncadd.s32 $0xFFFFFFFF  }
0x98: {  	s19 =	sld [smem:$0x13];
	(tm) =	ssettm $0x1  }
0x99: {  	s8 =	sld [smem:$0x3FFB];
	_ =	sdelay $0x3  }
0x9a: {  	_ =	strace s8  }
0x9b: {  	s8 =	sld [smem:$0x3FFC];
	_ =	sdelay $0x3  }
0x9c: {  	_ =	strace s8  }
0x9d: {  	s8 =	sld [smem:$0x3FFD];
	_ =	sdelay $0x3  }
0x9e: {  	_ =	strace s8  }
0x9f: {  	_ =	strace $0x8FFFFFFF  }
0xa0: {  	s20 =	sld [smem:$0x3FDB];
	_ =	sdelay $0x1  }
0xa1: {  	s9 =	simm.s32 $_scs_section_size  }
0xa2: {  	s10 =	simm.s32 $_size__tile_overlayer_lowered;
	s11 =	simm.s32 $_tile_overlayer_lowered  }
0xa3: {  	s23 =	simm.s32 $0x1BFF;
	s22 =	sshll.u32 s11, $0x1;
	s8 =	sadd.s32 s9, s20  }
0xa4: {  	s12 =	simm.s32 $0x0;
	s21 =	sshll.u32 s10, $0x1;
	s10 =	sadd.s32 s22, s8  }
0xa5: {  	[timem:s12], [sflag:s23] =	dma.local [hbm:s10], s21  }
0xa6: {  	_ =	swait.ge [sflag:s23], s21  }
0xa7: {  	s9 =	ssub.s32 $0x0, s21;
	[sflag:s23] =	ssyncset.done $0x0  }
0xa8: {  	[sflag:s23] =	ssyncadd.s32 s9;
	_ =	sdelay $0x1  }
0xa9: {  	s24 =	simm.s32 $0x1B8B  }
0xaa: {  	_ =	swait.ge [sflag:s24], $0x1  }
0xab: {  	[sflag:s24] =	ssyncset.done $0x0  }
0xac: {  	s25 =	simm.s32 $0x1B8E;
	[sflag:s24] =	ssyncadd.s32 $0xFFFFFFFF  }
0xad: {  	s26 =	simm.s32 $execute0_lowered;
	[smem:$0x3FD2] =	sst s25  }
0xae: {  	s9 =	sshll.u32 s26, $0x1;
	_ =	strace $0x80000046;
	[dreg:$0x1] =	wrdreg $0xFFFFFFFF  }
0xaf: {  	s28 =	simm.s32 $_size_execute0_lowered;
	s8 =	sadd.s32 s8, s9;
	[dreg:$0x0] =	wrdreg $0x0  }
0xb0: {  	s9 =	sshll.u32 s28, $0x1;
	[dreg:$0x2] =	wrdreg s8  }
0xb1: {  	[dreg:$0x3] =	wrdreg s9  }
0xb2: {  	[dreg:$0x4] =	wrdreg $0xC0  }
0xb3: {  	_ =	task [dreg:s12], $0x5FFFF  }
0xb4: {  	[dreg:$0x1] =	wrdreg $0xFFFFFFFF  }
0xb5: {  	[dreg:$0x0] =	wrdreg $0x60  }
0xb6: {  	[dreg:$0x2] =	wrdreg s4  }
0xb7: {  	[dreg:$0x3] =	wrdreg s18  }
0xb8: {  	[dreg:$0x4] =	wrdreg s16  }
0xb9: {  	[dreg:$0x5] =	wrdreg s5  }
0xba: {  	[dreg:$0x6] =	wrdreg s17  }
0xbb: {  	[dreg:$0x7] =	wrdreg s19  }
0xbc: {  	[dreg:$0x8] =	wrdreg $0x9  }
0xbd: {  	_ =	task.clear_ibuf [dreg:s12], $0x9FFFF;
	_ =	strace $0x90000046  }
0xbe: {  	s29 =	simm.s32 $0x9;
	_ =	strace $0x80000048  }
0xbf: {  	_ =	swait.ge [sflag:s29], $0x1  }
0xc0: {  	[sflag:s29] =	ssyncadd.s32 $0xFFFFFFFF  }
0xc1: {  	_ =	strace $0x90000048  }
0xc2: {  	_ =	sfence  }
0xc3: {  	s30 =	sld [smem:$0x0];
	_ =	sdelay $0x2  }
0xc4: {  	s31 =	sshll.u32 s1, $0xD;
	s1 =	sshrl.u32 s1, $0x2  }
0xc5: {  	s3 =	sand.u32 $0x4000, s31;
	s1 =	sadd.s32 s1, s30  }
0xc6: {  	s0 =	sor.u32 s3, s0;
	s1 =	sshll.u32 s1, $0x11  }
0xc7: {  	s0 =	sor.u32 s1, s0  }
0xc8: {  	s0 =	sadd.s32 $0x8F2B, s0  }
0xc9: {  	[sflag:s0] =	ssyncadd.remote.s32 $0x1  }
0xca: {  	_ =	sfence.sel $0xFFFF  }
0xcb: {  	[dreg:$0x0] =	wrdreg $0xFFFFFFFF;
	(pc) =	sbr.abs _section_cstart, $3  }
0xcc: {  	[dreg:$0x1] =	wrdreg $0xFFFFFFFF  }
0xcd: {  	_ =	task.clear_ibuf [dreg:s12], $0x2FFFF;
	_ =	strace $0x9FFFFFFF  }
0xce: {  	(tm) =	ssettm $0x7FFFFFFF  }
0xcf: {  	_ =	shalt  }
tec
execute0_lowered:
.L_overlay_start_1:
0x0: {  	(tag) =	ssettag $0x1  }
0x1: {  	s1 =	rddreg [dreg:$0x0]  }
0x2: {  	s9 =	rddreg [dreg:$0x1]  }
0x3: {  	s2 =	rddreg [dreg:$0x3]  }
0x4: {  	s0 =	srdreg.scid;
	s4 =	rddreg [dreg:$0x4]  }
0x5: {  	s3 =	stileid.u32;
	s6 =	rddreg [dreg:$0x5];
	s5 =	simm.s32 $0x0  }
0x6: {  	s16 =	simm.s32 $0x18200;
	s18 =	simm.s32 $0x6200;
	s10 =	simm.s32 $0x6A00  }
0x7: {  	s11 =	simm.s32 $0x7A00;
	s20 =	simm.s32 $0x8A00;
	s12 =	simm.s32 $0x9200  }
0x8: {  	s21 =	simm.s32 $0x9A00;
	s13 =	simm.s32 $0xA200;
	s17 =	simm.s32 $0xC200  }
0x9: {  	s19 =	simm.s32 $0x1;
	s28 =	simm.s32 $0x2;
	s29 =	simm.s32 $0x3  }
0xa: {  	v0 =	vimm.s32 $0x8040201;
	v1 =	vimm.s32 $0x80402010;
	s30 =	simm.s32 $0x0;
	s0 =	sand.u32 $0x1, s0;
	s3 =	sshll.u32 s3, $0x1  }
0xb: {  	[smem:$0x7FF] =	sst s5;
	v0 =	vunpack.c.0.s8.s32 v0;
	v1 =	vunpack.c.0.s8.s32 v1;
	s3 =	sor.u32 s0, s3;
	s0 =	ssub.s32 $0x2, s0  }
0xc: {  	vm0 =	vcmask $0xF00;
	s7 =	smul.u32 $0xC38, s3;
	s23 =	sshll.u32 s3, $0x6;
	s3 =	sshll.u32 s3, $0xE  }
0xd: {  	_ =	strace $0x80000047;
	s8 =	sshrl.u32 s0, $0x1;
	v2 =	vnsel vm0, $0x8000, v0;
	v1 =	vand.u32 $0xFF, v1;
	vm0 =	vcmask $0x1F10;
	s3 =	sadd.s32 s4, s3  }
0xe: {  	v6 =	vlaneseq.u32;
	s0 =	ssub.s32 s0, s8;
	v1 =	vsel vm0, v1, v2;
	vm0 =	vcmask $0x2320;
	s25 =	sadd.s32 $0x1000, s3;
	[dreg:$0xe] =	wrdreg s3  }
0xf: {  	vm1 =	vcmask $0x3330;
	s8 =	simm.s32 $0x5A00;
	s26 =	sadd.s32 $0x2000, s3;
	v2 =	vsel vm0, $0x100, v1;
	vm0 =	vcmask $0x2724;
	[dreg:$0xa] =	wrdreg s25  }
0x10: {  	v3 =	vshrl.u32 v6, $0x3;
	s7 =	smin.u32 s7, $0x17A68;
	s31 =	sadd.s32 $0x3000, s3;
	[dreg:$0xb] =	wrdreg s26;
	v2 =	vsel vm0, $0x200, v2;
	vm0 =	vcmask $0x2B28  }
0x11: {  	s0 =	smax.u32 s0, $0x1;
	v1 =	vand.u32 $0x7, v6;
	s22 =	sshrl.u32 s7, $0x3;
	[dreg:$0xc] =	wrdreg s31;
	v4 =	vsel vm0, $0x400, v2;
	vm0 =	vcmask $0x2F2C  }
0x12: {  	[dreg:$0xd] =	wrdreg s0;
	v0 =	vmov s7;
	s26 =	simm.s32 $0x18E80;
	s2 =	sadd.s32 s2, s22;
	v2 =	vmul.u32 $0x8, v3;
	v3 =	vsel vm0, $0x800, v4  }
0x13: {  	s24 =	sadd.s32 s6, s22;
	s22 =	simm.s32 $0xAA00;
	[dreg:$0x7] =	wrdreg s2;
	vm0 =	vmmov $0xffff;
	v4 =	vsel vm1, $0x1000, v3;
	vm1 =	vcmask $0x3734  }
0x14: {  	s2 =	sadd.s32 s9, s23;
	[dreg:$0x9] =	wrdreg s24;
	s9 =	simm.s32 $0x7200;
	v3 =	vor.u32 $0x8, v6;
	v5 =	vsel vm1, $0x2000, v4;
	vm1 =	vcmask $0x3B38  }
0x15: {  	s23 =	simm.s32 $0xB200;
	s24 =	simm.s32 $0xBA00;
	[dreg:$0x8] =	wrdreg s2;
	v6 =	vadd.s32 $0x7F, v6;
	v4 =	vimm.s32 $0x0;
	v5 =	vsel vm1, $0x4000, v5  }
.LBB2_1:
0x16: {  	s4 =	rddreg [dreg:$0x2];
	s31 =	simm.s32 $0x10200  }
0x17: {  	[tilespmem:s31], [sflag:$0x1] =	stream.linear.gather [hbm4b:s4+s5], $0x4000, $0x38;
	[tilespmem:$0x19B00] =	vst v63  }
0x18: {  	s4 =	rddreg [dreg:$0x1];
	s31 =	simm.s32 $0x14200  }
0x19: {  	[tilespmem:s31], [sflag:$0x1] =	stream.linear.gather [hbm4b:s4+s5], $0x4000, $0x38;
	[tilespmem:$0x19B00] =	vst v63  }
0x1a: {  	s4 =	rddreg [dreg:$0x7]  }
0x1b: {  	[tilespmem:s16], [sflag:$0x1] =	stream.linear.gather [hbm4b:s4+s5], $0xC38, $0x38;
	[tilespmem:$0x19B00] =	vst v63  }
0x1c: {  	s25 =	simm.s32 $0x4;
	s4 =	rddreg [dreg:$0x8]  }
0x1d: {  	[tilespmem:s5], [sflag:$0x4] =	stream.linear.gather [hbm4b:s4+s5], $0x200, $0x38;
	[tilespmem:$0x19B00] =	vst v63  }
0x1e: {  	_ =	swait.ge [sflag:s25], $0x200  }
0x1f: {  	[sflag:s25] =	ssyncset.done $0x0  }
0x20: {  	[sflag:s25] =	ssyncadd.s32 $0xFFFFFE00  }
0x21: {  	v7 =	vld [tilespmem:$0x0];
	_ =	sdelay $0x4  }
0x22: {  	v8 =	vshll.u32 v7, $0x1  }
0x23: {  	v7 =	vand.u32 $0x7, v7;
	v8 =	vand.u32 $0xFFFFFFF0, v8  }
0x24: {  	v7 =	vor.u32 v7, v8  }
0x25: {  	v8 =	vperm.xlane v7, v1;
	_ =	sdelay $0x1  }
0x26: {  	v7 =	vperm.xlane v7, v3;
	v8 =	vadd.s32 v2, v8;
	_ =	sdelay $0x1  }
0x27: {  	v7 =	vadd.s32 v2, v7;
	_ =	sdelay $0x1  }
0x28: {  	s2 =	simm.s32 $0x200  }
0x29: {  	[tilespmem:s2], [sflag:$0x2] =	stream.indirect_vreg.gather [hbm4b:s1+s5], $0x80, v8, vm0, $0xb8;
	[tilespmem:$0x19B00] =	vst v63  }
0x2a: {  	s0 =	simm.s32 $0xA00  }
0x2b: {  	[tilespmem:s0], [sflag:$0x2] =	stream.indirect_vreg.gather [hbm4b:s1+s5], $0x80, v7, vm0, $0xb8;
	[tilespmem:$0x19B00] =	vst v63  }
0x2c: {  	v7 =	vld [tilespmem:$0x10];
	_ =	sdelay $0x4  }
0x2d: {  	v8 =	vshll.u32 v7, $0x1  }
0x2e: {  	v7 =	vand.u32 $0x7, v7;
	v8 =	vand.u32 $0xFFFFFFF0, v8  }
0x2f: {  	v7 =	vor.u32 v7, v8  }
0x30: {  	v8 =	vperm.xlane v7, v1;
	_ =	sdelay $0x1  }
0x31: {  	v7 =	vperm.xlane v7, v3;
	v8 =	vadd.s32 v2, v8;
	_ =	sdelay $0x1  }
0x32: {  	v7 =	vadd.s32 v2, v7;
	_ =	sdelay $0x1  }
0x33: {  	s3 =	simm.s32 $0x1200  }
0x34: {  	[tilespmem:s3], [sflag:$0x2] =	stream.indirect_vreg.gather [hbm4b:s1+s5], $0x80, v8, vm0, $0xb8;
	[tilespmem:$0x19B00] =	vst v63  }
0x35: {  	s3 =	simm.s32 $0x1A00  }
0x36: {  	[tilespmem:s3], [sflag:$0x2] =	stream.indirect_vreg.gather [hbm4b:s1+s5], $0x80, v7, vm0, $0xb8;
	[tilespmem:$0x19B00] =	vst v63  }
0x37: {  	v7 =	vld [tilespmem:$0x20];
	_ =	sdelay $0x4  }
0x38: {  	v8 =	vshll.u32 v7, $0x1  }
0x39: {  	v7 =	vand.u32 $0x7, v7;
	v8 =	vand.u32 $0xFFFFFFF0, v8  }
0x3a: {  	v7 =	vor.u32 v7, v8  }
0x3b: {  	v8 =	vperm.xlane v7, v1;
	_ =	sdelay $0x1  }
0x3c: {  	v7 =	vperm.xlane v7, v3;
	v8 =	vadd.s32 v2, v8;
	_ =	sdelay $0x1  }
0x3d: {  	v7 =	vadd.s32 v2, v7;
	_ =	sdelay $0x1  }
0x3e: {  	s14 =	simm.s32 $0x2200  }
0x3f: {  	[tilespmem:s14], [sflag:$0x2] =	stream.indirect_vreg.gather [hbm4b:s1+s5], $0x80, v8, vm0, $0xb8;
	[tilespmem:$0x19B00] =	vst v63  }
0x40: {  	s14 =	simm.s32 $0x2A00  }
0x41: {  	[tilespmem:s14], [sflag:$0x2] =	stream.indirect_vreg.gather [hbm4b:s1+s5], $0x80, v7, vm0, $0xb8;
	[tilespmem:$0x19B00] =	vst v63  }
0x42: {  	v7 =	vld [tilespmem:$0x30];
	_ =	sdelay $0x4  }
0x43: {  	v8 =	vshll.u32 v7, $0x1  }
0x44: {  	v7 =	vand.u32 $0x7, v7;
	v8 =	vand.u32 $0xFFFFFFF0, v8  }
0x45: {  	v7 =	vor.u32 v7, v8  }
0x46: {  	v8 =	vperm.xlane v7, v1;
	_ =	sdelay $0x1  }
0x47: {  	v7 =	vperm.xlane v7, v3;
	v8 =	vadd.s32 v2, v8;
	_ =	sdelay $0x1  }
0x48: {  	v7 =	vadd.s32 v2, v7;
	_ =	sdelay $0x1  }
0x49: {  	s15 =	simm.s32 $0x3200  }
0x4a: {  	[tilespmem:s15], [sflag:$0x2] =	stream.indirect_vreg.gather [hbm4b:s1+s5], $0x80, v8, vm0, $0xb8;
	[tilespmem:$0x19B00] =	vst v63  }
0x4b: {  	s15 =	simm.s32 $0x3A00  }
0x4c: {  	[tilespmem:s15], [sflag:$0x2] =	stream.indirect_vreg.gather [hbm4b:s1+s5], $0x80, v7, vm0, $0xb8;
	[tilespmem:$0x19B00] =	vst v63  }
0x4d: {  	v7 =	vld [tilespmem:$0x40];
	_ =	sdelay $0x4  }
0x4e: {  	v8 =	vshll.u32 v7, $0x1  }
0x4f: {  	v7 =	vand.u32 $0x7, v7;
	v8 =	vand.u32 $0xFFFFFFF0, v8  }
0x50: {  	v7 =	vor.u32 v7, v8  }
0x51: {  	v8 =	vperm.xlane v7, v1;
	_ =	sdelay $0x1  }
0x52: {  	v7 =	vperm.xlane v7, v3;
	v8 =	vadd.s32 v2, v8;
	_ =	sdelay $0x1  }
0x53: {  	v7 =	vadd.s32 v2, v7;
	_ =	sdelay $0x1  }
0x54: {  	s6 =	simm.s32 $0x4200  }
0x55: {  	[tilespmem:s6], [sflag:$0x2] =	stream.indirect_vreg.gather [hbm4b:s1+s5], $0x80, v8, vm0, $0xb8;
	[tilespmem:$0x19B00] =	vst v63  }
0x56: {  	s6 =	simm.s32 $0x4A00  }
0x57: {  	[tilespmem:s6], [sflag:$0x2] =	stream.indirect_vreg.gather [hbm4b:s1+s5], $0x80, v7, vm0, $0xb8;
	[tilespmem:$0x19B00] =	vst v63  }
0x58: {  	v7 =	vld [tilespmem:$0x50];
	_ =	sdelay $0x4  }
0x59: {  	v8 =	vshll.u32 v7, $0x1  }
0x5a: {  	v7 =	vand.u32 $0x7, v7;
	v8 =	vand.u32 $0xFFFFFFF0, v8  }
0x5b: {  	v7 =	vor.u32 v7, v8  }
0x5c: {  	v8 =	vperm.xlane v7, v1;
	_ =	sdelay $0x1  }
0x5d: {  	v7 =	vperm.xlane v7, v3;
	v8 =	vadd.s32 v2, v8;
	_ =	sdelay $0x1  }
0x5e: {  	v7 =	vadd.s32 v2, v7;
	_ =	sdelay $0x1  }
0x5f: {  	s7 =	simm.s32 $0x5200  }
0x60: {  	[tilespmem:s7], [sflag:$0x2] =	stream.indirect_vreg.gather [hbm4b:s1+s5], $0x80, v8, vm0, $0xb8;
	[tilespmem:$0x19B00] =	vst v63  }
0x61: {  	_ = 	snop  }
0x62: {  	[tilespmem:s8], [sflag:$0x2] =	stream.indirect_vreg.gather [hbm4b:s1+s5], $0x80, v7, vm0, $0xb8;
	[tilespmem:$0x19B00] =	vst v63  }
0x63: {  	v7 =	vld [tilespmem:$0x60];
	_ =	sdelay $0x4  }
0x64: {  	v8 =	vshll.u32 v7, $0x1  }
0x65: {  	v7 =	vand.u32 $0x7, v7;
	v8 =	vand.u32 $0xFFFFFFF0, v8  }
0x66: {  	v7 =	vor.u32 v7, v8  }
0x67: {  	v8 =	vperm.xlane v7, v1;
	_ =	sdelay $0x1  }
0x68: {  	v7 =	vperm.xlane v7, v3;
	v8 =	vadd.s32 v2, v8;
	_ =	sdelay $0x1  }
0x69: {  	v7 =	vadd.s32 v2, v7;
	_ =	sdelay $0x2  }
0x6a: {  	[tilespmem:s18], [sflag:$0x2] =	stream.indirect_vreg.gather [hbm4b:s1+s5], $0x80, v8, vm0, $0xb8;
	[tilespmem:$0x19B00] =	vst v63  }
0x6b: {  	_ = 	snop  }
0x6c: {  	[tilespmem:s10], [sflag:$0x2] =	stream.indirect_vreg.gather [hbm4b:s1+s5], $0x80, v7, vm0, $0xb8;
	[tilespmem:$0x19B00] =	vst v63  }
0x6d: {  	v7 =	vld [tilespmem:$0x70];
	_ =	sdelay $0x4  }
0x6e: {  	v8 =	vshll.u32 v7, $0x1  }
0x6f: {  	v7 =	vand.u32 $0x7, v7;
	v8 =	vand.u32 $0xFFFFFFF0, v8  }
0x70: {  	v7 =	vor.u32 v7, v8  }
0x71: {  	v8 =	vperm.xlane v7, v1;
	_ =	sdelay $0x1  }
0x72: {  	v7 =	vperm.xlane v7, v3;
	v8 =	vadd.s32 v2, v8;
	_ =	sdelay $0x1  }
0x73: {  	v7 =	vadd.s32 v2, v7;
	_ =	sdelay $0x2  }
0x74: {  	[tilespmem:s9], [sflag:$0x2] =	stream.indirect_vreg.gather [hbm4b:s1+s5], $0x80, v8, vm0, $0xb8;
	[tilespmem:$0x19B00] =	vst v63  }
0x75: {  	_ = 	snop  }
0x76: {  	[tilespmem:s11], [sflag:$0x2] =	stream.indirect_vreg.gather [hbm4b:s1+s5], $0x80, v7, vm0, $0xb8;
	[tilespmem:$0x19B00] =	vst v63  }
0x77: {  	v7 =	vld [tilespmem:$0x80];
	_ =	sdelay $0x4  }
0x78: {  	v8 =	vshll.u32 v7, $0x1  }
0x79: {  	v7 =	vand.u32 $0x7, v7;
	v8 =	vand.u32 $0xFFFFFFF0, v8  }
0x7a: {  	v7 =	vor.u32 v7, v8  }
0x7b: {  	v8 =	vperm.xlane v7, v1;
	_ =	sdelay $0x1  }
0x7c: {  	v7 =	vperm.xlane v7, v3;
	v8 =	vadd.s32 v2, v8;
	_ =	sdelay $0x1  }
0x7d: {  	v7 =	vadd.s32 v2, v7;
	_ =	sdelay $0x1  }
0x7e: {  	s2 =	simm.s32 $0x8200  }
0x7f: {  	[tilespmem:s2], [sflag:$0x2] =	stream.indirect_vreg.gather [hbm4b:s1+s5], $0x80, v8, vm0, $0xb8;
	[tilespmem:$0x19B00] =	vst v63  }
0x80: {  	_ = 	snop  }
0x81: {  	[tilespmem:s20], [sflag:$0x2] =	stream.indirect_vreg.gather [hbm4b:s1+s5], $0x80, v7, vm0, $0xb8;
	[tilespmem:$0x19B00] =	vst v63  }
0x82: {  	v7 =	vld [tilespmem:$0x90];
	_ =	sdelay $0x4  }
0x83: {  	v8 =	vshll.u32 v7, $0x1  }
0x84: {  	v7 =	vand.u32 $0x7, v7;
	v8 =	vand.u32 $0xFFFFFFF0, v8  }
0x85: {  	v7 =	vor.u32 v7, v8  }
0x86: {  	v8 =	vperm.xlane v7, v1;
	_ =	sdelay $0x1  }
0x87: {  	v7 =	vperm.xlane v7, v3;
	v8 =	vadd.s32 v2, v8;
	_ =	sdelay $0x1  }
0x88: {  	v7 =	vadd.s32 v2, v7;
	_ =	sdelay $0x2  }
0x89: {  	[tilespmem:s12], [sflag:$0x2] =	stream.indirect_vreg.gather [hbm4b:s1+s5], $0x80, v8, vm0, $0xb8;
	[tilespmem:$0x19B00] =	vst v63  }
0x8a: {  	_ = 	snop  }
0x8b: {  	[tilespmem:s21], [sflag:$0x2] =	stream.indirect_vreg.gather [hbm4b:s1+s5], $0x80, v7, vm0, $0xb8;
	[tilespmem:$0x19B00] =	vst v63  }
0x8c: {  	v7 =	vld [tilespmem:$0xA0];
	_ =	sdelay $0x4  }
0x8d: {  	v8 =	vshll.u32 v7, $0x1  }
0x8e: {  	v7 =	vand.u32 $0x7, v7;
	v8 =	vand.u32 $0xFFFFFFF0, v8  }
0x8f: {  	v7 =	vor.u32 v7, v8  }
0x90: {  	v8 =	vperm.xlane v7, v1;
	_ =	sdelay $0x1  }
0x91: {  	v7 =	vperm.xlane v7, v3;
	v8 =	vadd.s32 v2, v8;
	_ =	sdelay $0x1  }
0x92: {  	v7 =	vadd.s32 v2, v7;
	_ =	sdelay $0x2  }
0x93: {  	[tilespmem:s13], [sflag:$0x2] =	stream.indirect_vreg.gather [hbm4b:s1+s5], $0x80, v8, vm0, $0xb8;
	[tilespmem:$0x19B00] =	vst v63  }
0x94: {  	_ = 	snop  }
0x95: {  	[tilespmem:s22], [sflag:$0x2] =	stream.indirect_vreg.gather [hbm4b:s1+s5], $0x80, v7, vm0, $0xb8;
	[tilespmem:$0x19B00] =	vst v63  }
0x96: {  	v7 =	vld [tilespmem:$0xB0];
	_ =	sdelay $0x4  }
0x97: {  	v8 =	vshll.u32 v7, $0x1  }
0x98: {  	v7 =	vand.u32 $0x7, v7;
	v8 =	vand.u32 $0xFFFFFFF0, v8  }
0x99: {  	v7 =	vor.u32 v7, v8  }
0x9a: {  	v8 =	vperm.xlane v7, v1;
	_ =	sdelay $0x1  }
0x9b: {  	v7 =	vperm.xlane v7, v3;
	v8 =	vadd.s32 v2, v8;
	_ =	sdelay $0x1  }
0x9c: {  	v7 =	vadd.s32 v2, v7;
	_ =	sdelay $0x2  }
0x9d: {  	[tilespmem:s23], [sflag:$0x2] =	stream.indirect_vreg.gather [hbm4b:s1+s5], $0x80, v8, vm0, $0xb8;
	[tilespmem:$0x19B00] =	vst v63  }
0x9e: {  	_ = 	snop  }
0x9f: {  	[tilespmem:s24], [sflag:$0x2] =	stream.indirect_vreg.gather [hbm4b:s1+s5], $0x80, v7, vm0, $0xb8;
	[tilespmem:$0x19B00] =	vst v63  }
0xa0: {  	v7 =	vld [tilespmem:$0xC0];
	_ =	sdelay $0x4  }
0xa1: {  	v8 =	vshll.u32 v7, $0x1  }
0xa2: {  	v7 =	vand.u32 $0x7, v7;
	v8 =	vand.u32 $0xFFFFFFF0, v8  }
0xa3: {  	v7 =	vor.u32 v7, v8  }
0xa4: {  	v8 =	vperm.xlane v7, v1;
	_ =	sdelay $0x1  }
0xa5: {  	v7 =	vperm.xlane v7, v3;
	v8 =	vadd.s32 v2, v8;
	_ =	sdelay $0x1  }
0xa6: {  	v7 =	vadd.s32 v2, v7;
	_ =	sdelay $0x2  }
0xa7: {  	[tilespmem:s17], [sflag:$0x2] =	stream.indirect_vreg.gather [hbm4b:s1+s5], $0x80, v8, vm0, $0xb8;
	[tilespmem:$0x19B00] =	vst v63  }
0xa8: {  	s18 =	simm.s32 $0xCA00  }
0xa9: {  	[tilespmem:s18], [sflag:$0x2] =	stream.indirect_vreg.gather [hbm4b:s1+s5], $0x80, v7, vm0, $0xb8;
	[tilespmem:$0x19B00] =	vst v63  }
0xaa: {  	v7 =	vld [tilespmem:$0xD0];
	_ =	sdelay $0x4  }
0xab: {  	v8 =	vshll.u32 v7, $0x1  }
0xac: {  	v7 =	vand.u32 $0x7, v7;
	v8 =	vand.u32 $0xFFFFFFF0, v8  }
0xad: {  	v7 =	vor.u32 v7, v8  }
0xae: {  	v8 =	vperm.xlane v7, v1;
	_ =	sdelay $0x1  }
0xaf: {  	v7 =	vperm.xlane v7, v3;
	v8 =	vadd.s32 v2, v8;
	_ =	sdelay $0x1  }
0xb0: {  	v7 =	vadd.s32 v2, v7;
	_ =	sdelay $0x1  }
0xb1: {  	s25 =	simm.s32 $0xD200  }
0xb2: {  	[tilespmem:s25], [sflag:$0x2] =	stream.indirect_vreg.gather [hbm4b:s1+s5], $0x80, v8, vm0, $0xb8;
	[tilespmem:$0x19B00] =	vst v63  }
0xb3: {  	s20 =	simm.s32 $0xDA00  }
0xb4: {  	[tilespmem:s20], [sflag:$0x2] =	stream.indirect_vreg.gather [hbm4b:s1+s5], $0x80, v7, vm0, $0xb8;
	[tilespmem:$0x19B00] =	vst v63  }
0xb5: {  	v7 =	vld [tilespmem:$0xE0];
	_ =	sdelay $0x4  }
0xb6: {  	v8 =	vshll.u32 v7, $0x1  }
0xb7: {  	v7 =	vand.u32 $0x7, v7;
	v8 =	vand.u32 $0xFFFFFFF0, v8  }
0xb8: {  	v7 =	vor.u32 v7, v8  }
0xb9: {  	v8 =	vperm.xlane v7, v1;
	_ =	sdelay $0x1  }
0xba: {  	v7 =	vperm.xlane v7, v3;
	v8 =	vadd.s32 v2, v8;
	_ =	sdelay $0x1  }
0xbb: {  	v7 =	vadd.s32 v2, v7;
	_ =	sdelay $0x1  }
0xbc: {  	s21 =	simm.s32 $0xE200  }
0xbd: {  	[tilespmem:s21], [sflag:$0x2] =	stream.indirect_vreg.gather [hbm4b:s1+s5], $0x80, v8, vm0, $0xb8;
	[tilespmem:$0x19B00] =	vst v63  }
0xbe: {  	s22 =	simm.s32 $0xEA00  }
0xbf: {  	[tilespmem:s22], [sflag:$0x2] =	stream.indirect_vreg.gather [hbm4b:s1+s5], $0x80, v7, vm0, $0xb8;
	[tilespmem:$0x19B00] =	vst v63  }
0xc0: {  	v7 =	vld [tilespmem:$0xF0];
	_ =	sdelay $0x4  }
0xc1: {  	v8 =	vshll.u32 v7, $0x1  }
0xc2: {  	v7 =	vand.u32 $0x7, v7;
	v8 =	vand.u32 $0xFFFFFFF0, v8  }
0xc3: {  	v7 =	vor.u32 v7, v8  }
0xc4: {  	v8 =	vperm.xlane v7, v1;
	_ =	sdelay $0x1  }
0xc5: {  	v7 =	vperm.xlane v7, v3;
	v8 =	vadd.s32 v2, v8;
	_ =	sdelay $0x1  }
0xc6: {  	v7 =	vadd.s32 v2, v7;
	_ =	sdelay $0x1  }
0xc7: {  	s23 =	simm.s32 $0xF200  }
0xc8: {  	[tilespmem:s23], [sflag:$0x2] =	stream.indirect_vreg.gather [hbm4b:s1+s5], $0x80, v8, vm0, $0xb8;
	[tilespmem:$0x19B00] =	vst v63  }
0xc9: {  	s24 =	simm.s32 $0xFA00  }
0xca: {  	[tilespmem:s24], [sflag:$0x2] =	stream.indirect_vreg.gather [hbm4b:s1+s5], $0x80, v7, vm0, $0xb8;
	[tilespmem:$0x19B00] =	vst v63  }
0xcb: {  	_ =	swait.ge [sflag:s19], $0x4000  }
0xcc: {  	[sflag:s19] =	ssyncset.done $0x0  }
0xcd: {  	s31 =	simm.s32 $0x0;
	s7 =	simm.s32 $0x5A00;
	[sflag:s19] =	ssyncadd.s32 $0xFFFFC000  }
0xce: {  	s8 =	simm.s32 $0x6200;
	s10 =	simm.s32 $0x6A00;
	_ =	swait.ge [sflag:s19], $0x4000  }
0xcf: {  	s9 =	simm.s32 $0x7200;
	s11 =	simm.s32 $0x7A00;
	[sflag:s19] =	ssyncset.done $0x0  }
0xd0: {  	s12 =	simm.s32 $0x9A00;
	s13 =	simm.s32 $0xAA00;
	[sflag:s19] =	ssyncadd.s32 $0xFFFFC000  }
0xd1: {  	s18 =	simm.s32 $0x8A00;
	s20 =	simm.s32 $0x9200;
	_ =	swait.ge [sflag:s19], $0xC38  }
0xd2: {  	s21 =	simm.s32 $0xA200;
	s22 =	simm.s32 $0xB200;
	[sflag:s19] =	ssyncset.done $0x0  }
0xd3: {  	s23 =	simm.s32 $0xBA00;
	s24 =	simm.s32 $0xC200;
	[sflag:s19] =	ssyncadd.s32 $0xFFFFF3C8  }
.LBB2_2:
0xd4: {  	s4 =	sshra.s32 s31, $0x2  }
0xd5: {  	v7 =	vld [tilespmem:s4+$0x10200];
	_ =	sdelay $0x4  }
0xd6: {  	v7 =	vsub.s32 v7, v0  }
0xd7: {  	vm1 =	vlt.u32 v7, $0xC38  }
0xd8: {  	v7 =	vnsel vm1, $0x0, v7;
	_ =	sdelay $0x4  }
0xd9: {  	v8 =	vld [tilespmem:s4+$0x14200];
	[tilespmem:v7+s26+$0x0] =	vst.idx.msk vm1, v4  }
0xda: {  	[tilespmem:v7+s26+$0x0] =	vst.idx.add.s32.msk vm1, v5  }
0xdb: {  	v9 =	vld.idx.msk [tilespmem:v7+s26+$0x0], vm1;
	_ =	sdelay $0x4  }
0xdc: {  	v9 =	vcvt.s32.f32 v9;
	_ =	sdelay $0x1  }
0xdd: {  	v9 =	vshra.s32 v9, $0x17  }
0xde: {  	vm2 =	veq.s32 v9, v6  }
0xdf: {  	vm1 =	vmand vm1, vm2;
	_ =	sdelay $0x5  }
0xe0: {  	[tilespmem:v7+s16+$0x0] =	vst.idx.msk vm1, v8  }
0xe1: {  	v7 =	vld [tilespmem:s4+$0x10210];
	_ =	sdelay $0x4  }
0xe2: {  	v7 =	vsub.s32 v7, v0  }
0xe3: {  	vm1 =	vlt.u32 v7, $0xC38  }
0xe4: {  	v7 =	vnsel vm1, $0x0, v7;
	_ =	sdelay $0x4  }
0xe5: {  	v8 =	vld [tilespmem:s4+$0x14210];
	[tilespmem:v7+s26+$0x0] =	vst.idx.msk vm1, v4  }
0xe6: {  	[tilespmem:v7+s26+$0x0] =	vst.idx.add.s32.msk vm1, v5  }
0xe7: {  	v63 =	vld.idx.msk [tilespmem:v7+s26+$0x0], vm1;
	_ =	sdelay $0x4  }
0xe8: {  	v9 =	vcvt.s32.f32 v63;
	_ =	sdelay $0x1  }
0xe9: {  	v9 =	vshra.s32 v9, $0x17  }
0xea: {  	vm2 =	veq.s32 v9, v6  }
0xeb: {  	vm1 =	vmand vm1, vm2  }
0xec: {  	p0 =	sne.s32 s31, $0xFF80  }
.Ltmp0:
0xed: {  	_ = 	snop;
	(pc) =	sbr.rel @p0 .LBB2_2-.Ltmp0, $2  }
0xee: {  	_ =	sdelay $0x2  }
0xef: {  	s31 =	sadd.s32 $0x80, s31;
	[tilespmem:v7+s16+$0x0] =	vst.idx.msk vm1, v8  }
0xf0: {  	s4 =	rddreg [dreg:$0x9];
	s0 =	simm.s32 $0x4  }
0xf1: {  	[hbm4b:s4+s5] =	stream.linear.scatter [tilespmem:s16], [sflag:$0x4], $0xC38, $0x38;
	[tilespmem:$0x19B00] =	vst v63  }
0xf2: {  	_ =	swait.ge [sflag:s0], $0xC38  }
0xf3: {  	[sflag:s0] =	ssyncset.done $0x0  }
0xf4: {  	[sflag:s0] =	ssyncadd.s32 $0xFFFFF3C8  }
0xf5: {  	_ =	swait.ge [sflag:s28], $0x8000  }
0xf6: {  	[sflag:s28] =	ssyncset.done $0x0  }
0xf7: {  	s17 =	simm.s32 $0x200;
	s4 =	rddreg [dreg:$0xe];
	[sflag:s28] =	ssyncadd.s32 $0xFFFF8000  }
0xf8: {  	[hbm4b:s4+s5] =	stream.linear.scatter [tilespmem:s17], [sflag:$0x3], $0x8000, $0x38;
	[tilespmem:$0x19B00] =	vst v63  }
0xf9: {  	_ =	swait.ge [sflag:s29], $0x8000  }
0xfa: {  	[sflag:s29] =	ssyncset.done $0x0  }
0xfb: {  	[sflag:s29] =	ssyncadd.s32 $0xFFFF8000  }
0xfc: {  	v7 =	vld [tilespmem:$0x100];
	_ =	sdelay $0x4  }
0xfd: {  	v8 =	vshll.u32 v7, $0x1  }
0xfe: {  	v7 =	vand.u32 $0x7, v7;
	v8 =	vand.u32 $0xFFFFFFF0, v8  }
0xff: {  	v7 =	vor.u32 v7, v8  }
0x100: {  	v8 =	vperm.xlane v7, v1;
	_ =	sdelay $0x1  }
0x101: {  	v7 =	vperm.xlane v7, v3;
	v8 =	vadd.s32 v2, v8;
	_ =	sdelay $0x1  }
0x102: {  	v7 =	vadd.s32 v2, v7;
	_ =	sdelay $0x2  }
0x103: {  	[tilespmem:s17], [sflag:$0x2] =	stream.indirect_vreg.gather [hbm4b:s1+s5], $0x80, v8, vm0, $0xb8;
	[tilespmem:$0x19B00] =	vst v63  }
0x104: {  	s31 =	simm.s32 $0xA00  }
0x105: {  	[tilespmem:s31], [sflag:$0x2] =	stream.indirect_vreg.gather [hbm4b:s1+s5], $0x80, v7, vm0, $0xb8;
	[tilespmem:$0x19B00] =	vst v63  }
0x106: {  	v7 =	vld [tilespmem:$0x110];
	_ =	sdelay $0x4  }
0x107: {  	v8 =	vshll.u32 v7, $0x1  }
0x108: {  	v7 =	vand.u32 $0x7, v7;
	v8 =	vand.u32 $0xFFFFFFF0, v8  }
0x109: {  	v7 =	vor.u32 v7, v8  }
0x10a: {  	v8 =	vperm.xlane v7, v1;
	_ =	sdelay $0x1  }
0x10b: {  	v7 =	vperm.xlane v7, v3;
	v8 =	vadd.s32 v2, v8;
	_ =	sdelay $0x1  }
0x10c: {  	v7 =	vadd.s32 v2, v7;
	_ =	sdelay $0x1  }
0x10d: {  	s4 =	simm.s32 $0x1200  }
0x10e: {  	[tilespmem:s4], [sflag:$0x2] =	stream.indirect_vreg.gather [hbm4b:s1+s5], $0x80, v8, vm0, $0xb8;
	[tilespmem:$0x19B00] =	vst v63  }
0x10f: {  	_ = 	snop  }
0x110: {  	[tilespmem:s3], [sflag:$0x2] =	stream.indirect_vreg.gather [hbm4b:s1+s5], $0x80, v7, vm0, $0xb8;
	[tilespmem:$0x19B00] =	vst v63  }
0x111: {  	v7 =	vld [tilespmem:$0x120];
	_ =	sdelay $0x4  }
0x112: {  	v8 =	vshll.u32 v7, $0x1  }
0x113: {  	v7 =	vand.u32 $0x7, v7;
	v8 =	vand.u32 $0xFFFFFFF0, v8  }
0x114: {  	v7 =	vor.u32 v7, v8  }
0x115: {  	v8 =	vperm.xlane v7, v1;
	_ =	sdelay $0x1  }
0x116: {  	v7 =	vperm.xlane v7, v3;
	v8 =	vadd.s32 v2, v8;
	_ =	sdelay $0x1  }
0x117: {  	v7 =	vadd.s32 v2, v7;
	_ =	sdelay $0x1  }
0x118: {  	s31 =	simm.s32 $0x2200  }
0x119: {  	[tilespmem:s31], [sflag:$0x2] =	stream.indirect_vreg.gather [hbm4b:s1+s5], $0x80, v8, vm0, $0xb8;
	[tilespmem:$0x19B00] =	vst v63  }
0x11a: {  	_ = 	snop  }
0x11b: {  	[tilespmem:s14], [sflag:$0x2] =	stream.indirect_vreg.gather [hbm4b:s1+s5], $0x80, v7, vm0, $0xb8;
	[tilespmem:$0x19B00] =	vst v63  }
0x11c: {  	v7 =	vld [tilespmem:$0x130];
	_ =	sdelay $0x4  }
0x11d: {  	v8 =	vshll.u32 v7, $0x1  }
0x11e: {  	v7 =	vand.u32 $0x7, v7;
	v8 =	vand.u32 $0xFFFFFFF0, v8  }
0x11f: {  	v7 =	vor.u32 v7, v8  }
0x120: {  	v8 =	vperm.xlane v7, v1;
	_ =	sdelay $0x1  }
0x121: {  	v7 =	vperm.xlane v7, v3;
	v8 =	vadd.s32 v2, v8;
	_ =	sdelay $0x1  }
0x122: {  	v7 =	vadd.s32 v2, v7;
	_ =	sdelay $0x1  }
0x123: {  	s3 =	simm.s32 $0x3200  }
0x124: {  	[tilespmem:s3], [sflag:$0x2] =	stream.indirect_vreg.gather [hbm4b:s1+s5], $0x80, v8, vm0, $0xb8;
	[tilespmem:$0x19B00] =	vst v63  }
0x125: {  	_ = 	snop  }
0x126: {  	[tilespmem:s15], [sflag:$0x2] =	stream.indirect_vreg.gather [hbm4b:s1+s5], $0x80, v7, vm0, $0xb8;
	[tilespmem:$0x19B00] =	vst v63  }
0x127: {  	v7 =	vld [tilespmem:$0x140];
	_ =	sdelay $0x4  }
0x128: {  	v8 =	vshll.u32 v7, $0x1  }
0x129: {  	v7 =	vand.u32 $0x7, v7;
	v8 =	vand.u32 $0xFFFFFFF0, v8  }
0x12a: {  	v7 =	vor.u32 v7, v8  }
0x12b: {  	v8 =	vperm.xlane v7, v1;
	_ =	sdelay $0x1  }
0x12c: {  	v7 =	vperm.xlane v7, v3;
	v8 =	vadd.s32 v2, v8;
	_ =	sdelay $0x1  }
0x12d: {  	v7 =	vadd.s32 v2, v7;
	_ =	sdelay $0x1  }
0x12e: {  	s4 =	simm.s32 $0x4200  }
0x12f: {  	[tilespmem:s4], [sflag:$0x2] =	stream.indirect_vreg.gather [hbm4b:s1+s5], $0x80, v8, vm0, $0xb8;
	[tilespmem:$0x19B00] =	vst v63  }
0x130: {  	_ = 	snop  }
0x131: {  	[tilespmem:s6], [sflag:$0x2] =	stream.indirect_vreg.gather [hbm4b:s1+s5], $0x80, v7, vm0, $0xb8;
	[tilespmem:$0x19B00] =	vst v63  }
0x132: {  	v7 =	vld [tilespmem:$0x150];
	_ =	sdelay $0x4  }
0x133: {  	v8 =	vshll.u32 v7, $0x1  }
0x134: {  	v7 =	vand.u32 $0x7, v7;
	v8 =	vand.u32 $0xFFFFFFF0, v8  }
0x135: {  	v7 =	vor.u32 v7, v8  }
0x136: {  	v8 =	vperm.xlane v7, v1;
	_ =	sdelay $0x1  }
0x137: {  	v7 =	vperm.xlane v7, v3;
	v8 =	vadd.s32 v2, v8;
	_ =	sdelay $0x1  }
0x138: {  	v7 =	vadd.s32 v2, v7;
	_ =	sdelay $0x1  }
0x139: {  	s6 =	simm.s32 $0x5200  }
0x13a: {  	[tilespmem:s6], [sflag:$0x2] =	stream.indirect_vreg.gather [hbm4b:s1+s5], $0x80, v8, vm0, $0xb8;
	[tilespmem:$0x19B00] =	vst v63  }
0x13b: {  	_ = 	snop  }
0x13c: {  	[tilespmem:s7], [sflag:$0x2] =	stream.indirect_vreg.gather [hbm4b:s1+s5], $0x80, v7, vm0, $0xb8;
	[tilespmem:$0x19B00] =	vst v63  }
0x13d: {  	v7 =	vld [tilespmem:$0x160];
	_ =	sdelay $0x4  }
0x13e: {  	v8 =	vshll.u32 v7, $0x1  }
0x13f: {  	v7 =	vand.u32 $0x7, v7;
	v8 =	vand.u32 $0xFFFFFFF0, v8  }
0x140: {  	v7 =	vor.u32 v7, v8  }
0x141: {  	v8 =	vperm.xlane v7, v1;
	_ =	sdelay $0x1  }
0x142: {  	v7 =	vperm.xlane v7, v3;
	v8 =	vadd.s32 v2, v8;
	_ =	sdelay $0x1  }
0x143: {  	v7 =	vadd.s32 v2, v7;
	_ =	sdelay $0x2  }
0x144: {  	[tilespmem:s8], [sflag:$0x2] =	stream.indirect_vreg.gather [hbm4b:s1+s5], $0x80, v8, vm0, $0xb8;
	[tilespmem:$0x19B00] =	vst v63  }
0x145: {  	_ = 	snop  }
0x146: {  	[tilespmem:s10], [sflag:$0x2] =	stream.indirect_vreg.gather [hbm4b:s1+s5], $0x80, v7, vm0, $0xb8;
	[tilespmem:$0x19B00] =	vst v63  }
0x147: {  	v7 =	vld [tilespmem:$0x170];
	_ =	sdelay $0x4  }
0x148: {  	v8 =	vshll.u32 v7, $0x1  }
0x149: {  	v7 =	vand.u32 $0x7, v7;
	v8 =	vand.u32 $0xFFFFFFF0, v8  }
0x14a: {  	v7 =	vor.u32 v7, v8  }
0x14b: {  	v8 =	vperm.xlane v7, v1;
	_ =	sdelay $0x1  }
0x14c: {  	v7 =	vperm.xlane v7, v3;
	v8 =	vadd.s32 v2, v8;
	_ =	sdelay $0x1  }
0x14d: {  	v7 =	vadd.s32 v2, v7;
	_ =	sdelay $0x2  }
0x14e: {  	[tilespmem:s9], [sflag:$0x2] =	stream.indirect_vreg.gather [hbm4b:s1+s5], $0x80, v8, vm0, $0xb8;
	[tilespmem:$0x19B00] =	vst v63  }
0x14f: {  	_ = 	snop  }
0x150: {  	[tilespmem:s11], [sflag:$0x2] =	stream.indirect_vreg.gather [hbm4b:s1+s5], $0x80, v7, vm0, $0xb8;
	[tilespmem:$0x19B00] =	vst v63  }
0x151: {  	_ =	swait.ge [sflag:s28], $0x8000  }
0x152: {  	[sflag:s28] =	ssyncset.done $0x0  }
0x153: {  	s14 =	rddreg [dreg:$0xa];
	[sflag:s28] =	ssyncadd.s32 $0xFFFF8000  }
0x154: {  	[hbm4b:s14+s5] =	stream.linear.scatter [tilespmem:s2], [sflag:$0x3], $0x8000, $0x38;
	[tilespmem:$0x19B00] =	vst v63  }
0x155: {  	_ =	swait.ge [sflag:s29], $0x8000  }
0x156: {  	[sflag:s29] =	ssyncset.done $0x0  }
0x157: {  	[sflag:s29] =	ssyncadd.s32 $0xFFFF8000  }
0x158: {  	v7 =	vld [tilespmem:$0x180];
	_ =	sdelay $0x4  }
0x159: {  	v8 =	vshll.u32 v7, $0x1  }
0x15a: {  	v7 =	vand.u32 $0x7, v7;
	v8 =	vand.u32 $0xFFFFFFF0, v8  }
0x15b: {  	v7 =	vor.u32 v7, v8  }
0x15c: {  	v8 =	vperm.xlane v7, v1;
	_ =	sdelay $0x1  }
0x15d: {  	v7 =	vperm.xlane v7, v3;
	v8 =	vadd.s32 v2, v8;
	_ =	sdelay $0x1  }
0x15e: {  	v7 =	vadd.s32 v2, v7;
	_ =	sdelay $0x2  }
0x15f: {  	[tilespmem:s2], [sflag:$0x2] =	stream.indirect_vreg.gather [hbm4b:s1+s5], $0x80, v8, vm0, $0xb8;
	[tilespmem:$0x19B00] =	vst v63  }
0x160: {  	_ = 	snop  }
0x161: {  	[tilespmem:s18], [sflag:$0x2] =	stream.indirect_vreg.gather [hbm4b:s1+s5], $0x80, v7, vm0, $0xb8;
	[tilespmem:$0x19B00] =	vst v63  }
0x162: {  	v7 =	vld [tilespmem:$0x190];
	_ =	sdelay $0x4  }
0x163: {  	v8 =	vshll.u32 v7, $0x1  }
0x164: {  	v7 =	vand.u32 $0x7, v7;
	v8 =	vand.u32 $0xFFFFFFF0, v8  }
0x165: {  	v7 =	vor.u32 v7, v8  }
0x166: {  	v8 =	vperm.xlane v7, v1;
	_ =	sdelay $0x1  }
0x167: {  	v7 =	vperm.xlane v7, v3;
	v8 =	vadd.s32 v2, v8;
	_ =	sdelay $0x1  }
0x168: {  	v7 =	vadd.s32 v2, v7;
	_ =	sdelay $0x2  }
0x169: {  	[tilespmem:s20], [sflag:$0x2] =	stream.indirect_vreg.gather [hbm4b:s1+s5], $0x80, v8, vm0, $0xb8;
	[tilespmem:$0x19B00] =	vst v63  }
0x16a: {  	_ = 	snop  }
0x16b: {  	[tilespmem:s12], [sflag:$0x2] =	stream.indirect_vreg.gather [hbm4b:s1+s5], $0x80, v7, vm0, $0xb8;
	[tilespmem:$0x19B00] =	vst v63  }
0x16c: {  	v7 =	vld [tilespmem:$0x1A0];
	_ =	sdelay $0x4  }
0x16d: {  	v8 =	vshll.u32 v7, $0x1  }
0x16e: {  	v7 =	vand.u32 $0x7, v7;
	v8 =	vand.u32 $0xFFFFFFF0, v8  }
0x16f: {  	v7 =	vor.u32 v7, v8  }
0x170: {  	v8 =	vperm.xlane v7, v1;
	_ =	sdelay $0x1  }
0x171: {  	v7 =	vperm.xlane v7, v3;
	v8 =	vadd.s32 v2, v8;
	_ =	sdelay $0x1  }
0x172: {  	v7 =	vadd.s32 v2, v7;
	_ =	sdelay $0x2  }
0x173: {  	[tilespmem:s21], [sflag:$0x2] =	stream.indirect_vreg.gather [hbm4b:s1+s5], $0x80, v8, vm0, $0xb8;
	[tilespmem:$0x19B00] =	vst v63  }
0x174: {  	_ = 	snop  }
0x175: {  	[tilespmem:s13], [sflag:$0x2] =	stream.indirect_vreg.gather [hbm4b:s1+s5], $0x80, v7, vm0, $0xb8;
	[tilespmem:$0x19B00] =	vst v63  }
0x176: {  	v7 =	vld [tilespmem:$0x1B0];
	_ =	sdelay $0x4  }
0x177: {  	v8 =	vshll.u32 v7, $0x1  }
0x178: {  	v7 =	vand.u32 $0x7, v7;
	v8 =	vand.u32 $0xFFFFFFF0, v8  }
0x179: {  	v7 =	vor.u32 v7, v8  }
0x17a: {  	v8 =	vperm.xlane v7, v1;
	_ =	sdelay $0x1  }
0x17b: {  	v7 =	vperm.xlane v7, v3;
	v8 =	vadd.s32 v2, v8;
	_ =	sdelay $0x1  }
0x17c: {  	v7 =	vadd.s32 v2, v7;
	_ =	sdelay $0x2  }
0x17d: {  	[tilespmem:s22], [sflag:$0x2] =	stream.indirect_vreg.gather [hbm4b:s1+s5], $0x80, v8, vm0, $0xb8;
	[tilespmem:$0x19B00] =	vst v63  }
0x17e: {  	_ = 	snop  }
0x17f: {  	[tilespmem:s23], [sflag:$0x2] =	stream.indirect_vreg.gather [hbm4b:s1+s5], $0x80, v7, vm0, $0xb8;
	[tilespmem:$0x19B00] =	vst v63  }
0x180: {  	v7 =	vld [tilespmem:$0x1C0];
	_ =	sdelay $0x4  }
0x181: {  	v8 =	vshll.u32 v7, $0x1  }
0x182: {  	v7 =	vand.u32 $0x7, v7;
	v8 =	vand.u32 $0xFFFFFFF0, v8  }
0x183: {  	v7 =	vor.u32 v7, v8  }
0x184: {  	v8 =	vperm.xlane v7, v1;
	_ =	sdelay $0x1  }
0x185: {  	v7 =	vperm.xlane v7, v3;
	v8 =	vadd.s32 v2, v8;
	_ =	sdelay $0x1  }
0x186: {  	v7 =	vadd.s32 v2, v7;
	_ =	sdelay $0x2  }
0x187: {  	[tilespmem:s24], [sflag:$0x2] =	stream.indirect_vreg.gather [hbm4b:s1+s5], $0x80, v8, vm0, $0xb8;
	[tilespmem:$0x19B00] =	vst v63  }
0x188: {  	s15 =	simm.s32 $0xCA00  }
0x189: {  	[tilespmem:s15], [sflag:$0x2] =	stream.indirect_vreg.gather [hbm4b:s1+s5], $0x80, v7, vm0, $0xb8;
	[tilespmem:$0x19B00] =	vst v63  }
0x18a: {  	v7 =	vld [tilespmem:$0x1D0];
	_ =	sdelay $0x4  }
0x18b: {  	v8 =	vshll.u32 v7, $0x1  }
0x18c: {  	v7 =	vand.u32 $0x7, v7;
	v8 =	vand.u32 $0xFFFFFFF0, v8  }
0x18d: {  	v7 =	vor.u32 v7, v8  }
0x18e: {  	v8 =	vperm.xlane v7, v1;
	_ =	sdelay $0x1  }
0x18f: {  	v7 =	vperm.xlane v7, v3;
	v8 =	vadd.s32 v2, v8;
	_ =	sdelay $0x1  }
0x190: {  	v7 =	vadd.s32 v2, v7;
	_ =	sdelay $0x2  }
0x191: {  	[tilespmem:s25], [sflag:$0x2] =	stream.indirect_vreg.gather [hbm4b:s1+s5], $0x80, v8, vm0, $0xb8;
	[tilespmem:$0x19B00] =	vst v63  }
0x192: {  	s18 =	simm.s32 $0xDA00  }
0x193: {  	[tilespmem:s18], [sflag:$0x2] =	stream.indirect_vreg.gather [hbm4b:s1+s5], $0x80, v7, vm0, $0xb8;
	[tilespmem:$0x19B00] =	vst v63  }
0x194: {  	v7 =	vld [tilespmem:$0x1E0];
	_ =	sdelay $0x4  }
0x195: {  	v8 =	vshll.u32 v7, $0x1  }
0x196: {  	v7 =	vand.u32 $0x7, v7;
	v8 =	vand.u32 $0xFFFFFFF0, v8  }
0x197: {  	v7 =	vor.u32 v7, v8  }
0x198: {  	v8 =	vperm.xlane v7, v1;
	_ =	sdelay $0x1  }
0x199: {  	v7 =	vperm.xlane v7, v3;
	v8 =	vadd.s32 v2, v8;
	_ =	sdelay $0x1  }
0x19a: {  	v7 =	vadd.s32 v2, v7;
	_ =	sdelay $0x1  }
0x19b: {  	s20 =	simm.s32 $0xE200  }
0x19c: {  	[tilespmem:s20], [sflag:$0x2] =	stream.indirect_vreg.gather [hbm4b:s1+s5], $0x80, v8, vm0, $0xb8;
	[tilespmem:$0x19B00] =	vst v63  }
0x19d: {  	s21 =	simm.s32 $0xEA00  }
0x19e: {  	[tilespmem:s21], [sflag:$0x2] =	stream.indirect_vreg.gather [hbm4b:s1+s5], $0x80, v7, vm0, $0xb8;
	[tilespmem:$0x19B00] =	vst v63  }
0x19f: {  	v7 =	vld [tilespmem:$0x1F0];
	_ =	sdelay $0x4  }
0x1a0: {  	v8 =	vshll.u32 v7, $0x1  }
0x1a1: {  	v7 =	vand.u32 $0x7, v7;
	v8 =	vand.u32 $0xFFFFFFF0, v8  }
0x1a2: {  	v7 =	vor.u32 v7, v8  }
0x1a3: {  	v8 =	vperm.xlane v7, v1;
	_ =	sdelay $0x1  }
0x1a4: {  	v7 =	vperm.xlane v7, v3;
	v8 =	vadd.s32 v2, v8;
	_ =	sdelay $0x1  }
0x1a5: {  	v7 =	vadd.s32 v2, v7;
	_ =	sdelay $0x1  }
0x1a6: {  	s22 =	simm.s32 $0xF200  }
0x1a7: {  	[tilespmem:s22], [sflag:$0x2] =	stream.indirect_vreg.gather [hbm4b:s1+s5], $0x80, v8, vm0, $0xb8;
	[tilespmem:$0x19B00] =	vst v63  }
0x1a8: {  	s23 =	simm.s32 $0xFA00  }
0x1a9: {  	[tilespmem:s23], [sflag:$0x2] =	stream.indirect_vreg.gather [hbm4b:s1+s5], $0x80, v7, vm0, $0xb8;
	[tilespmem:$0x19B00] =	vst v63  }
0x1aa: {  	_ =	swait.ge [sflag:s28], $0x8000  }
0x1ab: {  	[sflag:s28] =	ssyncset.done $0x0  }
0x1ac: {  	s24 =	rddreg [dreg:$0xb];
	[sflag:s28] =	ssyncadd.s32 $0xFFFF8000  }
0x1ad: {  	[hbm4b:s24+s5] =	stream.linear.scatter [tilespmem:s17], [sflag:$0x3], $0x8000, $0x38;
	[tilespmem:$0x19B00] =	vst v63  }
0x1ae: {  	_ =	swait.ge [sflag:s28], $0x8000  }
0x1af: {  	[sflag:s28] =	ssyncset.done $0x0  }
0x1b0: {  	s25 =	rddreg [dreg:$0xc];
	[sflag:s28] =	ssyncadd.s32 $0xFFFF8000  }
0x1b1: {  	[hbm4b:s25+s5] =	stream.linear.scatter [tilespmem:s2], [sflag:$0x3], $0x8000, $0x38;
	[tilespmem:$0x19B00] =	vst v63  }
0x1b2: {  	_ =	swait.ge [sflag:s29], $0x8000  }
0x1b3: {  	[sflag:s29] =	ssyncset.done $0x0  }
0x1b4: {  	[sflag:s29] =	ssyncadd.s32 $0xFFFF8000  }
0x1b5: {  	_ =	swait.ge [sflag:s29], $0x8000  }
0x1b6: {  	s30 =	sadd.s32 $0x1, s30;
	s31 =	rddreg [dreg:$0xd]  }
0x1b7: {  	s8 =	simm.s32 $0x5A00;
	p0 =	sne.s32 s30, s31  }
.Ltmp1:
0x1b8: {  	s10 =	simm.s32 $0x6A00;
	s9 =	simm.s32 $0x7200;
	(pc) =	sbr.rel @p0 .LBB2_1-.Ltmp1, $4  }
0x1b9: {  	s11 =	simm.s32 $0x7A00;
	s12 =	simm.s32 $0x9200;
	s13 =	simm.s32 $0xA200  }
0x1ba: {  	s18 =	simm.s32 $0x6200;
	s20 =	simm.s32 $0x8A00;
	s21 =	simm.s32 $0x9A00  }
0x1bb: {  	s22 =	simm.s32 $0xAA00;
	s23 =	simm.s32 $0xB200;
	[sflag:s29] =	ssyncset.done $0x0  }
0x1bc: {  	s17 =	simm.s32 $0xC200;
	s24 =	simm.s32 $0xBA00;
	[sflag:s29] =	ssyncadd.s32 $0xFFFF8000  }
0x1bd: {  	_ =	sfence.sel $0x180000  }
0x1be: {  	[bflag:$0x0] =	sbarrier.arrive $0xFFFF  }
0x1bf: {  	_ =	strace $0x90000047  }
0x1c0: {  	s0 =	stileid.u32;
	[bflag:$0x2] =	sbarrier.arrive $0xFFFF  }
0x1c1: {  	p0 =	sne.s32 s0, $0x0;
	s0 =	rddreg [dreg:$0x6]  }
0x1c2: {  	s0 =	sadd.s32 @!p0 $0x100000, s0  }
0x1c3: {  	[sflag:s0] =	ssyncadd.tile.s32 @!p0 $0x1;
	_ =	shalt  }
.Lfunc_end2:
_tile_overlayer_lowered:
.L_overlay_start_2:
0x1c4: {  	(tag) =	ssettag $0x2  }
0x1c5: {  	s0 =	rddreg [dreg:$0x0];
	s2 =	stileid.u32  }
0x1c6: {  	s1 =	rddreg [dreg:$0x1];
	p0 =	sne.s32 s2, $0x0  }
0x1c7: {  	s3 =	rddreg [dreg:$0x2];
	[bflag:$0x3] =	sbarrier.arrive $0xFFFF;
	s2 =	simm.s32 @!p0 $0x1C04  }
0x1c8: {  	[timem:s3], [sflag:s2] =	dma.local @!p0 [hbm:s0], s1  }
0x1c9: {  	s0 =	simm.s32 @!p0 $0x4  }
0x1ca: {  	_ =	swait.ge @!p0 [sflag:s0], s1  }
0x1cb: {  	s1 =	ssub.s32 @!p0 $0x0, s1;
	[sflag:s0] =	ssyncset.done @!p0 $0x0  }
0x1cc: {  	[sflag:s0] =	ssyncadd.s32 @!p0 s1  }
0x1cd: {  	[bflag:$0x3] =	sbarrier.arrive $0xFFFF  }
0x1ce: {  	_ =	shalt  }

</sc_bundles>
